<compile_context>
chip_gen: v7x
topology: tpu7x:2x2x1
jax: 0.10.2.dev20260603
libtpu: 0.0.44.dev20260713+nightly
codegen_flags: <defaults>
</compile_context>

<pallas_src>
import jax
import jax.numpy as jnp
from jax import lax
from jax.experimental import pallas as pl
from jax.experimental.pallas import tpu as pltpu
from jax.experimental.pallas import tpu_sc as plsc

N_ROWS = 4096
N_FIELDS = 26
N_CLASSES = 1000
N_BANDS = N_FIELDS * N_CLASSES // 8
BANDS_PER_FIELD = N_CLASSES // 8
BAND_W = 32 * 8 * 128
NC = 2
NS = 16
NW = NC * NS


def _scan_scatter(x2_v, buf, off_x, band, value):
    k0 = (band % BANDS_PER_FIELD) * 8

    def body(i, carry):
        rv = x2_v[pl.ds(off_x + i * 16, 16)]
        idx = jnp.where(rv == 0, 0, rv - 1)
        rel = idx - k0
        m = (rel >= 0) & (rel < 8)
        off = ((i // 8) * 1024 + rel * 128 + (i % 8) * 16
               + lax.iota(jnp.int32, 16))
        off = jnp.where(m, off, 0)
        plsc.store_scatter(buf, [off], jnp.full((16,), value, jnp.float32),
                           mask=m)
        return carry
    lax.fori_loop(0, N_ROWS // 16, body, 0)


def _sc_body(xt_hbm, y_hbm, x2_v, buf0, buf1, sem0, sem1):
    c = lax.axis_index("c")
    s = lax.axis_index("s")
    wid = s * NC + c
    start = wid * N_BANDS // NW
    end = (wid + 1) * N_BANDS // NW
    j_lo = start // BANDS_PER_FIELD
    j_hi = (end - 1) // BANDS_PER_FIELD
    j_split = (j_lo + 1) * BANDS_PER_FIELD

    pltpu.sync_copy(xt_hbm.at[pl.ds(j_lo * N_ROWS, N_ROWS)],
                    x2_v.at[pl.ds(0, N_ROWS)])
    pltpu.sync_copy(xt_hbm.at[pl.ds(j_hi * N_ROWS, N_ROWS)],
                    x2_v.at[pl.ds(N_ROWS, N_ROWS)])

    bufs = (buf0, buf1)
    sems = (sem0, sem1)

    def _zero(i, carry):
        buf0[pl.ds(i * 16, 16)] = jnp.zeros((16,), jnp.float32)
        buf1[pl.ds(i * 16, 16)] = jnp.zeros((16,), jnp.float32)
        return carry
    lax.fori_loop(0, BAND_W // 16, _zero, 0)

    def _pair(it, carry):
        for sub in range(2):
            band = start + it * 2 + sub
            in_range = band < end

            @pl.when(in_range & (band - start >= 2))
            def _():
                pltpu.make_async_copy(
                    y_hbm.at[pl.ds(0, BAND_W)], bufs[sub], sems[sub]).wait()
                b_prev = band - 2
                off_prev = jnp.where(b_prev >= j_split, N_ROWS, 0)
                _scan_scatter(x2_v, bufs[sub], off_prev, b_prev, 0.0)

            @pl.when(in_range)
            def _():
                off_x = jnp.where(band >= j_split, N_ROWS, 0)
                _scan_scatter(x2_v, bufs[sub], off_x, band, -1.0)
                pltpu.make_async_copy(
                    bufs[sub], y_hbm.at[pl.ds(band * BAND_W, BAND_W)],
                    sems[sub]).start()
        return carry

    n = end - start
    lax.fori_loop(0, (n + 1) // 2, _pair, 0)

    for sub in range(2):
        pltpu.make_async_copy(
            y_hbm.at[pl.ds(0, BAND_W)], bufs[sub], sems[sub]).wait()


def kernel(x):
    mesh = plsc.VectorSubcoreMesh(core_axis_name="c", subcore_axis_name="s")
    kfn = pl.kernel(
        _sc_body,
        mesh=mesh,
        out_type=jax.ShapeDtypeStruct((N_BANDS * BAND_W,), jnp.float32),
        scratch_types=[
            pltpu.VMEM((2 * N_ROWS,), jnp.int32),
            pltpu.VMEM((BAND_W,), jnp.float32),
            pltpu.VMEM((BAND_W,), jnp.float32),
            pltpu.SemaphoreType.DMA,
            pltpu.SemaphoreType.DMA,
        ],
        compiler_params=pltpu.CompilerParams(
            needs_layout_passes=False, use_tc_tiling_on_sc=False),
    )
    xt = x.T.reshape(-1)
    y = kfn(xt)
    y4 = y.reshape(N_BANDS, 32, 8, 128)
    return y4.transpose(1, 3, 0, 2).reshape(N_ROWS, N_FIELDS * N_CLASSES)

# --- scband reference (transcript-rebuilt; emitter-appended) ---
"""Pipeline reference for scband-partial-assign-cencoder-81174881894669 (READ-ONLY COPY).

The authoritative reference and input builder live on the scoring server;
editing this copy changes nothing except your own understanding.
"""

import jax, jax.numpy as jnp
import numpy as np

NUM_CLASSES = 1000

def setup_inputs(seed: int = 0) -> dict:
    key = jax.random.key(seed)
    x = jax.random.randint(key, (4096, 26), 0, 1000, dtype=jnp.int64 if jax.config.jax_enable_x64 else jnp.int32)
    return {"x": x}

def reference(x) -> jnp.ndarray:
    # g = x != 0
    g = (x != 0).astype(x.dtype)
    # index = (x - 1) * g  -> 0 where x == 0, else x - 1
    idx = (x - 1) * g
    # one-hot encode, negate, flatten per-row
    oh = jax.nn.one_hot(idx, NUM_CLASSES, dtype=jnp.float32)
    out = -oh.reshape(x.shape[0], -1)
    return out

if __name__ == "__main__":
    import jax
    _d = setup_inputs()
    print(jax.jit(kernel)(*tuple(_d.values())))

</pallas_src>

<mosaic_0001>
#map = affine_map<(d0, d1) -> (0)>
module attributes {stable_mosaic.version = 14 : i64} {
  func.func @_sc_body(%arg0: i32, %arg1: i32, %arg2: memref<106496xi32, #tpu.memory_space<hbm>>, %arg3: memref<106496000xf32, #tpu.memory_space<hbm>>, %arg4: memref<8192xi32, #tpu.memory_space<vmem>>, %arg5: memref<32768xf32, #tpu.memory_space<vmem>>, %arg6: memref<32768xf32, #tpu.memory_space<vmem>>, %arg7: memref<!tpu.dma_semaphore, #tpu.memory_space<semaphore_mem>>, %arg8: memref<!tpu.dma_semaphore, #tpu.memory_space<semaphore_mem>>) attributes {dimension_semantics = [#tpu.dimension_semantics<core_parallel>, #tpu.dimension_semantics<subcore_parallel>], iteration_bounds = array<i64: 2, 16>, scalar_prefetch = 0 : i64, scratch_operands = 5 : i64, tpu.core_type = #tpu.core_type<sc_vector_subcore>, window_params = [{transform_indices = #map}, {transform_indices = #map}]} {
    %mul3A = arith.constant 2 : i32
    %mul3A_0 = arith.muli %arg1, %mul3A : i32
    %add3A = arith.addi %mul3A_0, %arg0 : i32
    %mul3A_1 = arith.constant 3250 : i32
    %mul3A_2 = arith.muli %add3A, %mul3A_1 : i32
    %jit3A = arith.constant 32 : i32
    %div3A = arith.divsi %mul3A_2, %jit3A : i32
    %sign3A = arith.constant 0 : i32
    %sign3A_3 = arith.cmpi sgt, %mul3A_2, %sign3A : i32
    %sign3A_4 = arith.extui %sign3A_3 : i1 to i32
    %sign3A_5 = arith.constant 0 : i32
    %sign3A_6 = arith.cmpi slt, %mul3A_2, %sign3A_5 : i32
    %sign3A_7 = arith.extui %sign3A_6 : i1 to i32
    %sign3A_8 = arith.subi %sign3A_4, %sign3A_7 : i32
    %sign3A_9 = arith.constant 0 : i32
    %sign3A_10 = arith.cmpi sgt, %jit3A, %sign3A_9 : i32
    %sign3A_11 = arith.extui %sign3A_10 : i1 to i32
    %sign3A_12 = arith.constant 0 : i32
    %sign3A_13 = arith.cmpi slt, %jit3A, %sign3A_12 : i32
    %sign3A_14 = arith.extui %sign3A_13 : i1 to i32
    %sign3A_15 = arith.subi %sign3A_11, %sign3A_14 : i32
    %ne3A = arith.cmpi ne, %sign3A_8, %sign3A_15 : i32
    %rem3A = arith.remsi %mul3A_2, %jit3A : i32
    %ne3A_16 = arith.constant 0 : i32
    %ne3A_17 = arith.cmpi ne, %rem3A, %ne3A_16 : i32
    %and3A = arith.andi %ne3A, %ne3A_17 : i1
    %sub3A = arith.constant 1 : i32
    %sub3A_18 = arith.subi %div3A, %sub3A : i32
    %select_n3A = arith.select %and3A, %sub3A_18, %div3A : i32
    %add3A_19 = arith.constant 1 : i32
    %add3A_20 = arith.addi %add3A, %add3A_19 : i32
    %mul3A_21 = arith.constant 3250 : i32
    %mul3A_22 = arith.muli %add3A_20, %mul3A_21 : i32
    %jit3A_23 = arith.constant 32 : i32
    %div3A_24 = arith.divsi %mul3A_22, %jit3A_23 : i32
    %sign3A_25 = arith.constant 0 : i32
    %sign3A_26 = arith.cmpi sgt, %mul3A_22, %sign3A_25 : i32
    %sign3A_27 = arith.extui %sign3A_26 : i1 to i32
    %sign3A_28 = arith.constant 0 : i32
    %sign3A_29 = arith.cmpi slt, %mul3A_22, %sign3A_28 : i32
    %sign3A_30 = arith.extui %sign3A_29 : i1 to i32
    %sign3A_31 = arith.subi %sign3A_27, %sign3A_30 : i32
    %sign3A_32 = arith.constant 0 : i32
    %sign3A_33 = arith.cmpi sgt, %jit3A_23, %sign3A_32 : i32
    %sign3A_34 = arith.extui %sign3A_33 : i1 to i32
    %sign3A_35 = arith.constant 0 : i32
    %sign3A_36 = arith.cmpi slt, %jit3A_23, %sign3A_35 : i32
    %sign3A_37 = arith.extui %sign3A_36 : i1 to i32
    %sign3A_38 = arith.subi %sign3A_34, %sign3A_37 : i32
    %ne3A_39 = arith.cmpi ne, %sign3A_31, %sign3A_38 : i32
    %rem3A_40 = arith.remsi %mul3A_22, %jit3A_23 : i32
    %ne3A_41 = arith.constant 0 : i32
    %ne3A_42 = arith.cmpi ne, %rem3A_40, %ne3A_41 : i32
    %and3A_43 = arith.andi %ne3A_39, %ne3A_42 : i1
    %sub3A_44 = arith.constant 1 : i32
    %sub3A_45 = arith.subi %div3A_24, %sub3A_44 : i32
    %select_n3A_46 = arith.select %and3A_43, %sub3A_45, %div3A_24 : i32
    %jit3A_47 = arith.constant 125 : i32
    %div3A_48 = arith.divsi %select_n3A, %jit3A_47 : i32
    %sign3A_49 = arith.constant 0 : i32
    %sign3A_50 = arith.cmpi sgt, %select_n3A, %sign3A_49 : i32
    %sign3A_51 = arith.extui %sign3A_50 : i1 to i32
    %sign3A_52 = arith.constant 0 : i32
    %sign3A_53 = arith.cmpi slt, %select_n3A, %sign3A_52 : i32
    %sign3A_54 = arith.extui %sign3A_53 : i1 to i32
    %sign3A_55 = arith.subi %sign3A_51, %sign3A_54 : i32
    %sign3A_56 = arith.constant 0 : i32
    %sign3A_57 = arith.cmpi sgt, %jit3A_47, %sign3A_56 : i32
    %sign3A_58 = arith.extui %sign3A_57 : i1 to i32
    %sign3A_59 = arith.constant 0 : i32
    %sign3A_60 = arith.cmpi slt, %jit3A_47, %sign3A_59 : i32
    %sign3A_61 = arith.extui %sign3A_60 : i1 to i32
    %sign3A_62 = arith.subi %sign3A_58, %sign3A_61 : i32
    %ne3A_63 = arith.cmpi ne, %sign3A_55, %sign3A_62 : i32
    %rem3A_64 = arith.remsi %select_n3A, %jit3A_47 : i32
    %ne3A_65 = arith.constant 0 : i32
    %ne3A_66 = arith.cmpi ne, %rem3A_64, %ne3A_65 : i32
    %and3A_67 = arith.andi %ne3A_63, %ne3A_66 : i1
    %sub3A_68 = arith.constant 1 : i32
    %sub3A_69 = arith.subi %div3A_48, %sub3A_68 : i32
    %select_n3A_70 = arith.select %and3A_67, %sub3A_69, %div3A_48 : i32
    %sub3A_71 = arith.constant 1 : i32
    %sub3A_72 = arith.subi %select_n3A_46, %sub3A_71 : i32
    %jit3A_73 = arith.constant 125 : i32
    %div3A_74 = arith.divsi %sub3A_72, %jit3A_73 : i32
    %sign3A_75 = arith.constant 0 : i32
    %sign3A_76 = arith.cmpi sgt, %sub3A_72, %sign3A_75 : i32
    %sign3A_77 = arith.extui %sign3A_76 : i1 to i32
    %sign3A_78 = arith.constant 0 : i32
    %sign3A_79 = arith.cmpi slt, %sub3A_72, %sign3A_78 : i32
    %sign3A_80 = arith.extui %sign3A_79 : i1 to i32
    %sign3A_81 = arith.subi %sign3A_77, %sign3A_80 : i32
    %sign3A_82 = arith.constant 0 : i32
    %sign3A_83 = arith.cmpi sgt, %jit3A_73, %sign3A_82 : i32
    %sign3A_84 = arith.extui %sign3A_83 : i1 to i32
    %sign3A_85 = arith.constant 0 : i32
    %sign3A_86 = arith.cmpi slt, %jit3A_73, %sign3A_85 : i32
    %sign3A_87 = arith.extui %sign3A_86 : i1 to i32
    %sign3A_88 = arith.subi %sign3A_84, %sign3A_87 : i32
    %ne3A_89 = arith.cmpi ne, %sign3A_81, %sign3A_88 : i32
    %rem3A_90 = arith.remsi %sub3A_72, %jit3A_73 : i32
    %ne3A_91 = arith.constant 0 : i32
    %ne3A_92 = arith.cmpi ne, %rem3A_90, %ne3A_91 : i32
    %and3A_93 = arith.andi %ne3A_89, %ne3A_92 : i1
    %sub3A_94 = arith.constant 1 : i32
    %sub3A_95 = arith.subi %div3A_74, %sub3A_94 : i32
    %select_n3A_96 = arith.select %and3A_93, %sub3A_95, %div3A_74 : i32
    %add3A_97 = arith.constant 1 : i32
    %add3A_98 = arith.addi %select_n3A_70, %add3A_97 : i32
    %mul3A_99 = arith.constant 125 : i32
    %mul3A_100 = arith.muli %add3A_98, %mul3A_99 : i32
    %mul3A_101 = arith.constant 4096 : i32
    %mul3A_102 = arith.muli %select_n3A_70, %mul3A_101 : i32
    "tpu.region"() ({
      %run_scoped3A = tpu.sem_alloc : memref<!tpu.dma_semaphore, #tpu.memory_space<semaphore_mem>>
      %dma_start3A = arith.constant 0 : i32
      %dma_start3A_153 = tpu.memref_slice %arg4[%dma_start3A] : memref<8192xi32, #tpu.memory_space<vmem>> -> memref<4096xi32, #tpu.memory_space<vmem>>
      %dma_start3A_154 = tpu.memref_slice %arg2[%mul3A_102] : memref<106496xi32, #tpu.memory_space<hbm>> -> memref<4096xi32, #tpu.memory_space<hbm>>
      %dma_start3A_155 = arith.constant 0 : i32
      %dma_start3A_156 = tpu.memref_slice %arg4[%dma_start3A_155] : memref<8192xi32, #tpu.memory_space<vmem>> -> memref<4096xi32, #tpu.memory_space<vmem>>
      %dma_start3A_157 = tpu.memref_slice %arg2[%mul3A_102] : memref<106496xi32, #tpu.memory_space<hbm>> -> memref<4096xi32, #tpu.memory_space<hbm>>
      tpu.enqueue_dma source(%dma_start3A_157 : memref<4096xi32, #tpu.memory_space<hbm>>) target(%dma_start3A_156 : memref<4096xi32, #tpu.memory_space<vmem>>) target_semaphore(%run_scoped3A : memref<!tpu.dma_semaphore, #tpu.memory_space<semaphore_mem>>)
      %dma_wait3A_158 = arith.constant 0 : i32
      %dma_wait3A_159 = tpu.memref_slice %arg4[%dma_wait3A_158] : memref<8192xi32, #tpu.memory_space<vmem>> -> memref<4096xi32, #tpu.memory_space<vmem>>
      %dma_wait3A_160 = tpu.memref_slice %arg2[%mul3A_102] : memref<106496xi32, #tpu.memory_space<hbm>> -> memref<4096xi32, #tpu.memory_space<hbm>>
      %dma_wait3A_161 = arith.constant 0 : i32
      %dma_wait3A_162 = tpu.memref_slice %arg4[%dma_wait3A_161] : memref<8192xi32, #tpu.memory_space<vmem>> -> memref<4096xi32, #tpu.memory_space<vmem>>
      %dma_wait3A_163 = tpu.memref_slice %arg2[%mul3A_102] : memref<106496xi32, #tpu.memory_space<hbm>> -> memref<4096xi32, #tpu.memory_space<hbm>>
      tpu.wait_dma2 semaphore(%run_scoped3A : memref<!tpu.dma_semaphore, #tpu.memory_space<semaphore_mem>>) src(%dma_wait3A_163 : memref<4096xi32, #tpu.memory_space<hbm>>) dst(%dma_wait3A_162 : memref<4096xi32, #tpu.memory_space<vmem>>)
      tpu.yield
    }) : () -> ()
    %mul3A_103 = arith.constant 4096 : i32
    %mul3A_104 = arith.muli %select_n3A_96, %mul3A_103 : i32
    "tpu.region"() ({
      %run_scoped3A = tpu.sem_alloc : memref<!tpu.dma_semaphore, #tpu.memory_space<semaphore_mem>>
      %dma_start3A = arith.constant 4096 : i32
      %dma_start3A_153 = tpu.memref_slice %arg4[%dma_start3A] : memref<8192xi32, #tpu.memory_space<vmem>> -> memref<4096xi32, #tpu.memory_space<vmem>>
      %dma_start3A_154 = tpu.memref_slice %arg2[%mul3A_104] : memref<106496xi32, #tpu.memory_space<hbm>> -> memref<4096xi32, #tpu.memory_space<hbm>>
      %dma_start3A_155 = arith.constant 4096 : i32
      %dma_start3A_156 = tpu.memref_slice %arg4[%dma_start3A_155] : memref<8192xi32, #tpu.memory_space<vmem>> -> memref<4096xi32, #tpu.memory_space<vmem>>
      %dma_start3A_157 = tpu.memref_slice %arg2[%mul3A_104] : memref<106496xi32, #tpu.memory_space<hbm>> -> memref<4096xi32, #tpu.memory_space<hbm>>
      tpu.enqueue_dma source(%dma_start3A_157 : memref<4096xi32, #tpu.memory_space<hbm>>) target(%dma_start3A_156 : memref<4096xi32, #tpu.memory_space<vmem>>) target_semaphore(%run_scoped3A : memref<!tpu.dma_semaphore, #tpu.memory_space<semaphore_mem>>)
      %dma_wait3A_158 = arith.constant 4096 : i32
      %dma_wait3A_159 = tpu.memref_slice %arg4[%dma_wait3A_158] : memref<8192xi32, #tpu.memory_space<vmem>> -> memref<4096xi32, #tpu.memory_space<vmem>>
      %dma_wait3A_160 = tpu.memref_slice %arg2[%mul3A_104] : memref<106496xi32, #tpu.memory_space<hbm>> -> memref<4096xi32, #tpu.memory_space<hbm>>
      %dma_wait3A_161 = arith.constant 4096 : i32
      %dma_wait3A_162 = tpu.memref_slice %arg4[%dma_wait3A_161] : memref<8192xi32, #tpu.memory_space<vmem>> -> memref<4096xi32, #tpu.memory_space<vmem>>
      %dma_wait3A_163 = tpu.memref_slice %arg2[%mul3A_104] : memref<106496xi32, #tpu.memory_space<hbm>> -> memref<4096xi32, #tpu.memory_space<hbm>>
      tpu.wait_dma2 semaphore(%run_scoped3A : memref<!tpu.dma_semaphore, #tpu.memory_space<semaphore_mem>>) src(%dma_wait3A_163 : memref<4096xi32, #tpu.memory_space<hbm>>) dst(%dma_wait3A_162 : memref<4096xi32, #tpu.memory_space<vmem>>)
      tpu.yield
    }) : () -> ()
    %scan3A = arith.constant 0 : i32
    %scan3A_105 = arith.constant 0 : i32
    %scan3A_106 = arith.constant 2048 : i32
    %scan3A_107 = arith.addi %scan3A_105, %scan3A_106 : i32
    %scan3A_108 = arith.constant 1 : i32
    scf.for %scan3A_153 = %scan3A_105 to %scan3A_107 step %scan3A_108  : i32 {
      %broadcast_in_dim3A = arith.constant 0.000000e+00 : f32
      %broadcast_in_dim3A_154 = vector.broadcast %broadcast_in_dim3A : f32 to vector<16xf32>
      %mul3A_155 = arith.constant 16 : i32
      %mul3A_156 = arith.muli %scan3A_153, %mul3A_155 : i32
      %swap3A = arith.index_cast %mul3A_156 : i32 to index
      %swap3A_157 = tpu.vector_load %arg5[%swap3A] {strides = array<i32>} : memref<32768xf32, #tpu.memory_space<vmem>>, vector<16xf32>,
      tpu.vector_store %arg5[%swap3A], %broadcast_in_dim3A_154 {strides = array<i32>} : memref<32768xf32, #tpu.memory_space<vmem>>, vector<16xf32>,
      %broadcast_in_dim3A_158 = arith.constant 0.000000e+00 : f32
      %broadcast_in_dim3A_159 = vector.broadcast %broadcast_in_dim3A_158 : f32 to vector<16xf32>
      %mul3A_160 = arith.constant 16 : i32
      %mul3A_161 = arith.muli %scan3A_153, %mul3A_160 : i32
      %swap3A_162 = arith.index_cast %mul3A_161 : i32 to index
      %swap3A_163 = tpu.vector_load %arg6[%swap3A_162] {strides = array<i32>} : memref<32768xf32, #tpu.memory_space<vmem>>, vector<16xf32>,
      tpu.vector_store %arg6[%swap3A_162], %broadcast_in_dim3A_159 {strides = array<i32>} : memref<32768xf32, #tpu.memory_space<vmem>>, vector<16xf32>,
    }
    %scan3A_109 = arith.constant 2048 : i32
    %sub3A_110 = arith.subi %select_n3A_46, %select_n3A : i32
    %add3A_111 = arith.constant 1 : i32
    %add3A_112 = arith.addi %sub3A_110, %add3A_111 : i32
    %jit3A_113 = arith.constant 2 : i32
    %div3A_114 = arith.divsi %add3A_112, %jit3A_113 : i32
    %sign3A_115 = arith.constant 0 : i32
    %sign3A_116 = arith.cmpi sgt, %add3A_112, %sign3A_115 : i32
    %sign3A_117 = arith.extui %sign3A_116 : i1 to i32
    %sign3A_118 = arith.constant 0 : i32
    %sign3A_119 = arith.cmpi slt, %add3A_112, %sign3A_118 : i32
    %sign3A_120 = arith.extui %sign3A_119 : i1 to i32
    %sign3A_121 = arith.subi %sign3A_117, %sign3A_120 : i32
    %sign3A_122 = arith.constant 0 : i32
    %sign3A_123 = arith.cmpi sgt, %jit3A_113, %sign3A_122 : i32
    %sign3A_124 = arith.extui %sign3A_123 : i1 to i32
    %sign3A_125 = arith.constant 0 : i32
    %sign3A_126 = arith.cmpi slt, %jit3A_113, %sign3A_125 : i32
    %sign3A_127 = arith.extui %sign3A_126 : i1 to i32
    %sign3A_128 = arith.subi %sign3A_124, %sign3A_127 : i32
    %ne3A_129 = arith.cmpi ne, %sign3A_121, %sign3A_128 : i32
    %rem3A_130 = arith.remsi %add3A_112, %jit3A_113 : i32
    %ne3A_131 = arith.constant 0 : i32
    %ne3A_132 = arith.cmpi ne, %rem3A_130, %ne3A_131 : i32
    %and3A_133 = arith.andi %ne3A_129, %ne3A_132 : i1
    %sub3A_134 = arith.constant 1 : i32
    %sub3A_135 = arith.subi %div3A_114, %sub3A_134 : i32
    %select_n3A_136 = arith.select %and3A_133, %sub3A_135, %div3A_114 : i32
    %while3A = arith.constant 0 : i32
    %while3A_137 = arith.constant 0 : i32
    %while3A_138 = arith.subi %select_n3A_136, %while3A_137 : i32
    %while3A_139 = arith.addi %while3A_137, %while3A_138 : i32
    %while3A_140 = arith.constant 1 : i32
    %while3A_141 = arith.divsi %while3A_138, %while3A_140 : i32
    %while3A_142 = arith.muli %while3A_141, %while3A_140 : i32
    %while3A_143 = arith.addi %while3A_137, %while3A_142 : i32
    %while3A_144 = arith.constant 1 : i32
    scf.for %while3A_153 = %while3A_137 to %while3A_143 step %while3A_144  : i32 {
      %mul3A_154 = arith.constant 2 : i32
      %mul3A_155 = arith.muli %while3A_153, %mul3A_154 : i32
      %add3A_156 = arith.addi %select_n3A, %mul3A_155 : i32
      %add3A_157 = arith.constant 0 : i32
      %add3A_158 = arith.addi %add3A_156, %add3A_157 : i32
      %lt3A = arith.cmpi slt, %add3A_158, %select_n3A_46 : i32
      %sub3A_159 = arith.subi %add3A_158, %select_n3A : i32
      %ge3A = arith.constant 2 : i32
      %ge3A_160 = arith.cmpi sge, %sub3A_159, %ge3A : i32
      %and3A_161 = arith.andi %lt3A, %ge3A_160 : i1
      %convert_element_type3A = arith.extui %and3A_161 : i1 to i32
      %cond3A = arith.constant 0 : i32
      %cond3A_162 = arith.cmpi ne, %convert_element_type3A, %cond3A : i32
      scf.if %cond3A_162 {
        %dma_wait3A_182 = arith.constant 0 : i32
        %dma_wait3A_183 = tpu.memref_slice %arg3[%dma_wait3A_182] : memref<106496000xf32, #tpu.memory_space<hbm>> -> memref<32768xf32, #tpu.memory_space<hbm>>
        %dma_wait3A_184 = arith.constant 0 : i32
        %dma_wait3A_185 = tpu.memref_slice %arg3[%dma_wait3A_184] : memref<106496000xf32, #tpu.memory_space<hbm>> -> memref<32768xf32, #tpu.memory_space<hbm>>
        tpu.wait_dma2 semaphore(%arg7 : memref<!tpu.dma_semaphore, #tpu.memory_space<semaphore_mem>>) src(%dma_wait3A_185 : memref<32768xf32, #tpu.memory_space<hbm>>) dst(%arg5 : memref<32768xf32, #tpu.memory_space<vmem>>)
        %sub3A_186 = arith.constant 2 : i32
        %sub3A_187 = arith.subi %add3A_158, %sub3A_186 : i32
        %ge3A_188 = arith.cmpi sge, %sub3A_187, %mul3A_100 : i32
        %jit3A_189 = arith.constant 4096 : i32
        %jit3A_190 = arith.constant 0 : i32
        %select_n3A_191 = arith.select %ge3A_188, %jit3A_189, %jit3A_190 : i32
        %jit3A_192 = arith.constant 125 : i32
        %eq3A = arith.constant 0 : i32
        %eq3A_193 = arith.cmpi eq, %jit3A_192, %eq3A : i32
        %jit3A_194 = arith.constant 1 : i32
        %select_n3A_195 = arith.select %eq3A_193, %jit3A_194, %jit3A_192 : i32
        %rem3A_196 = arith.remsi %sub3A_187, %select_n3A_195 : i32
        %ne3A_197 = arith.constant 0 : i32
        %ne3A_198 = arith.cmpi ne, %rem3A_196, %ne3A_197 : i32
        %lt3A_199 = arith.constant 0 : i32
        %lt3A_200 = arith.cmpi slt, %rem3A_196, %lt3A_199 : i32
        %lt3A_201 = arith.constant 0 : i32
        %lt3A_202 = arith.cmpi slt, %select_n3A_195, %lt3A_201 : i32
        %ne3A_203 = arith.xori %lt3A_200, %lt3A_202 : i1
        %and3A_204 = arith.andi %ne3A_203, %ne3A_198 : i1
        %add3A_205 = arith.addi %rem3A_196, %select_n3A_195 : i32
        %select_n3A_206 = arith.select %and3A_204, %add3A_205, %rem3A_196 : i32
        %mul3A_207 = arith.constant 8 : i32
        %mul3A_208 = arith.muli %select_n3A_206, %mul3A_207 : i32
        %scan3A_209 = arith.constant 0 : i32
        %scan3A_210 = arith.constant 0 : i32
        %scan3A_211 = arith.constant 256 : i32
        %scan3A_212 = arith.addi %scan3A_210, %scan3A_211 : i32
        %scan3A_213 = arith.constant 1 : i32
        scf.for %scan3A_215 = %scan3A_210 to %scan3A_212 step %scan3A_213  : i32 {
          %mul3A_216 = arith.constant 16 : i32
          %mul3A_217 = arith.muli %scan3A_215, %mul3A_216 : i32
          %add3A_218 = arith.addi %select_n3A_191, %mul3A_217 : i32
          %get3A = arith.index_cast %add3A_218 : i32 to index
          %get3A_219 = tpu.vector_load %arg4[%get3A] {strides = array<i32>} : memref<8192xi32, #tpu.memory_space<vmem>>, vector<16xi32>,
          %eq3A_220 = arith.constant 0 : i32
          %eq3A_221 = vector.broadcast %eq3A_220 : i32 to vector<16xi32>
          %eq3A_222 = arith.cmpi eq, %get3A_219, %eq3A_221 : vector<16xi32>
          %sub3A_223 = arith.constant 1 : i32
          %sub3A_224 = vector.broadcast %sub3A_223 : i32 to vector<16xi32>
          %sub3A_225 = arith.subi %get3A_219, %sub3A_224 : vector<16xi32>
          %jit3A_226 = arith.constant 0 : i32
          %broadcast_in_dim3A = vector.broadcast %jit3A_226 : i32 to vector<16xi32>
          %select_n3A_227 = arith.select %eq3A_222, %broadcast_in_dim3A, %sub3A_225 : vector<16xi1>, vector<16xi32>
          %sub3A_228 = vector.broadcast %mul3A_208 : i32 to vector<16xi32>
          %sub3A_229 = arith.subi %select_n3A_227, %sub3A_228 : vector<16xi32>
          %ge3A_230 = arith.constant 0 : i32
          %ge3A_231 = vector.broadcast %ge3A_230 : i32 to vector<16xi32>
          %ge3A_232 = arith.cmpi sge, %sub3A_229, %ge3A_231 : vector<16xi32>
          %lt3A_233 = arith.constant 8 : i32
          %lt3A_234 = vector.broadcast %lt3A_233 : i32 to vector<16xi32>
          %lt3A_235 = arith.cmpi slt, %sub3A_229, %lt3A_234 : vector<16xi32>
          %and3A_236 = arith.andi %ge3A_232, %lt3A_235 : vector<16xi1>
          %jit3A_237 = arith.constant 8 : i32
          %div3A_238 = arith.divsi %scan3A_215, %jit3A_237 : i32
          %sign3A_239 = arith.constant 0 : i32
          %sign3A_240 = arith.cmpi sgt, %scan3A_215, %sign3A_239 : i32
          %sign3A_241 = arith.extui %sign3A_240 : i1 to i32
          %sign3A_242 = arith.constant 0 : i32
          %sign3A_243 = arith.cmpi slt, %scan3A_215, %sign3A_242 : i32
          %sign3A_244 = arith.extui %sign3A_243 : i1 to i32
          %sign3A_245 = arith.subi %sign3A_241, %sign3A_244 : i32
          %sign3A_246 = arith.constant 0 : i32
          %sign3A_247 = arith.cmpi sgt, %jit3A_237, %sign3A_246 : i32
          %sign3A_248 = arith.extui %sign3A_247 : i1 to i32
          %sign3A_249 = arith.constant 0 : i32
          %sign3A_250 = arith.cmpi slt, %jit3A_237, %sign3A_249 : i32
          %sign3A_251 = arith.extui %sign3A_250 : i1 to i32
          %sign3A_252 = arith.subi %sign3A_248, %sign3A_251 : i32
          %ne3A_253 = arith.cmpi ne, %sign3A_245, %sign3A_252 : i32
          %rem3A_254 = arith.remsi %scan3A_215, %jit3A_237 : i32
          %ne3A_255 = arith.constant 0 : i32
          %ne3A_256 = arith.cmpi ne, %rem3A_254, %ne3A_255 : i32
          %and3A_257 = arith.andi %ne3A_253, %ne3A_256 : i1
          %sub3A_258 = arith.constant 1 : i32
          %sub3A_259 = arith.subi %div3A_238, %sub3A_258 : i32
          %select_n3A_260 = arith.select %and3A_257, %sub3A_259, %div3A_238 : i32
          %mul3A_261 = arith.constant 1024 : i32
          %mul3A_262 = arith.muli %select_n3A_260, %mul3A_261 : i32
          %mul3A_263 = arith.constant 128 : i32
          %mul3A_264 = vector.broadcast %mul3A_263 : i32 to vector<16xi32>
          %mul3A_265 = arith.muli %sub3A_229, %mul3A_264 : vector<16xi32>
          %add3A_266 = vector.broadcast %mul3A_262 : i32 to vector<16xi32>
          %add3A_267 = arith.addi %add3A_266, %mul3A_265 : vector<16xi32>
          %jit3A_268 = arith.constant 8 : i32
          %eq3A_269 = arith.constant 0 : i32
          %eq3A_270 = arith.cmpi eq, %jit3A_268, %eq3A_269 : i32
          %jit3A_271 = arith.constant 1 : i32
          %select_n3A_272 = arith.select %eq3A_270, %jit3A_271, %jit3A_268 : i32
          %rem3A_273 = arith.remsi %scan3A_215, %select_n3A_272 : i32
          %ne3A_274 = arith.constant 0 : i32
          %ne3A_275 = arith.cmpi ne, %rem3A_273, %ne3A_274 : i32
          %lt3A_276 = arith.constant 0 : i32
          %lt3A_277 = arith.cmpi slt, %rem3A_273, %lt3A_276 : i32
          %lt3A_278 = arith.constant 0 : i32
          %lt3A_279 = arith.cmpi slt, %select_n3A_272, %lt3A_278 : i32
          %ne3A_280 = arith.xori %lt3A_277, %lt3A_279 : i1
          %and3A_281 = arith.andi %ne3A_280, %ne3A_275 : i1
          %add3A_282 = arith.addi %rem3A_273, %select_n3A_272 : i32
          %select_n3A_283 = arith.select %and3A_281, %add3A_282, %rem3A_273 : i32
          %mul3A_284 = arith.constant 16 : i32
          %mul3A_285 = arith.muli %select_n3A_283, %mul3A_284 : i32
          %add3A_286 = vector.broadcast %mul3A_285 : i32 to vector<16xi32>
          %add3A_287 = arith.addi %add3A_267, %add3A_286 : vector<16xi32>
          %iota3A = tpu.iota {dimensions = array<i32: 0>} : vector<16xi32>
          %add3A_288 = arith.addi %add3A_287, %iota3A : vector<16xi32>
          %jit3A_289 = arith.constant 0 : i32
          %broadcast_in_dim3A_290 = vector.broadcast %jit3A_289 : i32 to vector<16xi32>
          %select_n3A_291 = arith.select %and3A_236, %add3A_288, %broadcast_in_dim3A_290 : vector<16xi1>, vector<16xi32>
          %broadcast_in_dim3A_292 = arith.constant 0.000000e+00 : f32
          %broadcast_in_dim3A_293 = vector.broadcast %broadcast_in_dim3A_292 : f32 to vector<16xf32>
          tpu.vector_store_idx %arg5[%select_n3A_291], %broadcast_in_dim3A_293 masked %and3A_236 : memref<32768xf32, #tpu.memory_space<vmem>>[vector<16xi32>], vector<16xf32>, vector<16xi1>
        }
        %scan3A_214 = arith.constant 256 : i32
      } else {
      }
      %convert_element_type3A_163 = arith.extui %lt3A : i1 to i32
      %cond3A_164 = arith.constant 0 : i32
      %cond3A_165 = arith.cmpi ne, %convert_element_type3A_163, %cond3A_164 : i32
      scf.if %cond3A_165 {
        %ge3A_182 = arith.cmpi sge, %add3A_158, %mul3A_100 : i32
        %jit3A_183 = arith.constant 4096 : i32
        %jit3A_184 = arith.constant 0 : i32
        %select_n3A_185 = arith.select %ge3A_182, %jit3A_183, %jit3A_184 : i32
        %jit3A_186 = arith.constant 125 : i32
        %eq3A = arith.constant 0 : i32
        %eq3A_187 = arith.cmpi eq, %jit3A_186, %eq3A : i32
        %jit3A_188 = arith.constant 1 : i32
        %select_n3A_189 = arith.select %eq3A_187, %jit3A_188, %jit3A_186 : i32
        %rem3A_190 = arith.remsi %add3A_158, %select_n3A_189 : i32
        %ne3A_191 = arith.constant 0 : i32
        %ne3A_192 = arith.cmpi ne, %rem3A_190, %ne3A_191 : i32
        %lt3A_193 = arith.constant 0 : i32
        %lt3A_194 = arith.cmpi slt, %rem3A_190, %lt3A_193 : i32
        %lt3A_195 = arith.constant 0 : i32
        %lt3A_196 = arith.cmpi slt, %select_n3A_189, %lt3A_195 : i32
        %ne3A_197 = arith.xori %lt3A_194, %lt3A_196 : i1
        %and3A_198 = arith.andi %ne3A_197, %ne3A_192 : i1
        %add3A_199 = arith.addi %rem3A_190, %select_n3A_189 : i32
        %select_n3A_200 = arith.select %and3A_198, %add3A_199, %rem3A_190 : i32
        %mul3A_201 = arith.constant 8 : i32
        %mul3A_202 = arith.muli %select_n3A_200, %mul3A_201 : i32
        %scan3A_203 = arith.constant 0 : i32
        %scan3A_204 = arith.constant 0 : i32
        %scan3A_205 = arith.constant 256 : i32
        %scan3A_206 = arith.addi %scan3A_204, %scan3A_205 : i32
        %scan3A_207 = arith.constant 1 : i32
        scf.for %scan3A_212 = %scan3A_204 to %scan3A_206 step %scan3A_207  : i32 {
          %mul3A_213 = arith.constant 16 : i32
          %mul3A_214 = arith.muli %scan3A_212, %mul3A_213 : i32
          %add3A_215 = arith.addi %select_n3A_185, %mul3A_214 : i32
          %get3A = arith.index_cast %add3A_215 : i32 to index
          %get3A_216 = tpu.vector_load %arg4[%get3A] {strides = array<i32>} : memref<8192xi32, #tpu.memory_space<vmem>>, vector<16xi32>,
          %eq3A_217 = arith.constant 0 : i32
          %eq3A_218 = vector.broadcast %eq3A_217 : i32 to vector<16xi32>
          %eq3A_219 = arith.cmpi eq, %get3A_216, %eq3A_218 : vector<16xi32>
          %sub3A_220 = arith.constant 1 : i32
          %sub3A_221 = vector.broadcast %sub3A_220 : i32 to vector<16xi32>
          %sub3A_222 = arith.subi %get3A_216, %sub3A_221 : vector<16xi32>
          %jit3A_223 = arith.constant 0 : i32
          %broadcast_in_dim3A = vector.broadcast %jit3A_223 : i32 to vector<16xi32>
          %select_n3A_224 = arith.select %eq3A_219, %broadcast_in_dim3A, %sub3A_222 : vector<16xi1>, vector<16xi32>
          %sub3A_225 = vector.broadcast %mul3A_202 : i32 to vector<16xi32>
          %sub3A_226 = arith.subi %select_n3A_224, %sub3A_225 : vector<16xi32>
          %ge3A_227 = arith.constant 0 : i32
          %ge3A_228 = vector.broadcast %ge3A_227 : i32 to vector<16xi32>
          %ge3A_229 = arith.cmpi sge, %sub3A_226, %ge3A_228 : vector<16xi32>
          %lt3A_230 = arith.constant 8 : i32
          %lt3A_231 = vector.broadcast %lt3A_230 : i32 to vector<16xi32>
          %lt3A_232 = arith.cmpi slt, %sub3A_226, %lt3A_231 : vector<16xi32>
          %and3A_233 = arith.andi %ge3A_229, %lt3A_232 : vector<16xi1>
          %jit3A_234 = arith.constant 8 : i32
          %div3A_235 = arith.divsi %scan3A_212, %jit3A_234 : i32
          %sign3A_236 = arith.constant 0 : i32
          %sign3A_237 = arith.cmpi sgt, %scan3A_212, %sign3A_236 : i32
          %sign3A_238 = arith.extui %sign3A_237 : i1 to i32
          %sign3A_239 = arith.constant 0 : i32
          %sign3A_240 = arith.cmpi slt, %scan3A_212, %sign3A_239 : i32
          %sign3A_241 = arith.extui %sign3A_240 : i1 to i32
          %sign3A_242 = arith.subi %sign3A_238, %sign3A_241 : i32
          %sign3A_243 = arith.constant 0 : i32
          %sign3A_244 = arith.cmpi sgt, %jit3A_234, %sign3A_243 : i32
          %sign3A_245 = arith.extui %sign3A_244 : i1 to i32
          %sign3A_246 = arith.constant 0 : i32
          %sign3A_247 = arith.cmpi slt, %jit3A_234, %sign3A_246 : i32
          %sign3A_248 = arith.extui %sign3A_247 : i1 to i32
          %sign3A_249 = arith.subi %sign3A_245, %sign3A_248 : i32
          %ne3A_250 = arith.cmpi ne, %sign3A_242, %sign3A_249 : i32
          %rem3A_251 = arith.remsi %scan3A_212, %jit3A_234 : i32
          %ne3A_252 = arith.constant 0 : i32
          %ne3A_253 = arith.cmpi ne, %rem3A_251, %ne3A_252 : i32
          %and3A_254 = arith.andi %ne3A_250, %ne3A_253 : i1
          %sub3A_255 = arith.constant 1 : i32
          %sub3A_256 = arith.subi %div3A_235, %sub3A_255 : i32
          %select_n3A_257 = arith.select %and3A_254, %sub3A_256, %div3A_235 : i32
          %mul3A_258 = arith.constant 1024 : i32
          %mul3A_259 = arith.muli %select_n3A_257, %mul3A_258 : i32
          %mul3A_260 = arith.constant 128 : i32
          %mul3A_261 = vector.broadcast %mul3A_260 : i32 to vector<16xi32>
          %mul3A_262 = arith.muli %sub3A_226, %mul3A_261 : vector<16xi32>
          %add3A_263 = vector.broadcast %mul3A_259 : i32 to vector<16xi32>
          %add3A_264 = arith.addi %add3A_263, %mul3A_262 : vector<16xi32>
          %jit3A_265 = arith.constant 8 : i32
          %eq3A_266 = arith.constant 0 : i32
          %eq3A_267 = arith.cmpi eq, %jit3A_265, %eq3A_266 : i32
          %jit3A_268 = arith.constant 1 : i32
          %select_n3A_269 = arith.select %eq3A_267, %jit3A_268, %jit3A_265 : i32
          %rem3A_270 = arith.remsi %scan3A_212, %select_n3A_269 : i32
          %ne3A_271 = arith.constant 0 : i32
          %ne3A_272 = arith.cmpi ne, %rem3A_270, %ne3A_271 : i32
          %lt3A_273 = arith.constant 0 : i32
          %lt3A_274 = arith.cmpi slt, %rem3A_270, %lt3A_273 : i32
          %lt3A_275 = arith.constant 0 : i32
          %lt3A_276 = arith.cmpi slt, %select_n3A_269, %lt3A_275 : i32
          %ne3A_277 = arith.xori %lt3A_274, %lt3A_276 : i1
          %and3A_278 = arith.andi %ne3A_277, %ne3A_272 : i1
          %add3A_279 = arith.addi %rem3A_270, %select_n3A_269 : i32
          %select_n3A_280 = arith.select %and3A_278, %add3A_279, %rem3A_270 : i32
          %mul3A_281 = arith.constant 16 : i32
          %mul3A_282 = arith.muli %select_n3A_280, %mul3A_281 : i32
          %add3A_283 = vector.broadcast %mul3A_282 : i32 to vector<16xi32>
          %add3A_284 = arith.addi %add3A_264, %add3A_283 : vector<16xi32>
          %iota3A = tpu.iota {dimensions = array<i32: 0>} : vector<16xi32>
          %add3A_285 = arith.addi %add3A_284, %iota3A : vector<16xi32>
          %jit3A_286 = arith.constant 0 : i32
          %broadcast_in_dim3A_287 = vector.broadcast %jit3A_286 : i32 to vector<16xi32>
          %select_n3A_288 = arith.select %and3A_233, %add3A_285, %broadcast_in_dim3A_287 : vector<16xi1>, vector<16xi32>
          %broadcast_in_dim3A_289 = arith.constant -1.000000e+00 : f32
          %broadcast_in_dim3A_290 = vector.broadcast %broadcast_in_dim3A_289 : f32 to vector<16xf32>
          tpu.vector_store_idx %arg5[%select_n3A_288], %broadcast_in_dim3A_290 masked %and3A_233 : memref<32768xf32, #tpu.memory_space<vmem>>[vector<16xi32>], vector<16xf32>, vector<16xi1>
        }
        %scan3A_208 = arith.constant 256 : i32
        %mul3A_209 = arith.constant 32768 : i32
        %mul3A_210 = arith.muli %add3A_158, %mul3A_209 : i32
        %dma_start3A = tpu.memref_slice %arg3[%mul3A_210] : memref<106496000xf32, #tpu.memory_space<hbm>> -> memref<32768xf32, #tpu.memory_space<hbm>>
        %dma_start3A_211 = tpu.memref_slice %arg3[%mul3A_210] : memref<106496000xf32, #tpu.memory_space<hbm>> -> memref<32768xf32, #tpu.memory_space<hbm>>
        tpu.enqueue_dma source(%arg5 : memref<32768xf32, #tpu.memory_space<vmem>>) target(%dma_start3A_211 : memref<32768xf32, #tpu.memory_space<hbm>>) target_semaphore(%arg7 : memref<!tpu.dma_semaphore, #tpu.memory_space<semaphore_mem>>)
      } else {
      }
      %mul3A_166 = arith.constant 2 : i32
      %mul3A_167 = arith.muli %while3A_153, %mul3A_166 : i32
      %add3A_168 = arith.addi %select_n3A, %mul3A_167 : i32
      %add3A_169 = arith.constant 1 : i32
      %add3A_170 = arith.addi %add3A_168, %add3A_169 : i32
      %lt3A_171 = arith.cmpi slt, %add3A_170, %select_n3A_46 : i32
      %sub3A_172 = arith.subi %add3A_170, %select_n3A : i32
      %ge3A_173 = arith.constant 2 : i32
      %ge3A_174 = arith.cmpi sge, %sub3A_172, %ge3A_173 : i32
      %and3A_175 = arith.andi %lt3A_171, %ge3A_174 : i1
      %convert_element_type3A_176 = arith.extui %and3A_175 : i1 to i32
      %cond3A_177 = arith.constant 0 : i32
      %cond3A_178 = arith.cmpi ne, %convert_element_type3A_176, %cond3A_177 : i32
      scf.if %cond3A_178 {
        %dma_wait3A_182 = arith.constant 0 : i32
        %dma_wait3A_183 = tpu.memref_slice %arg3[%dma_wait3A_182] : memref<106496000xf32, #tpu.memory_space<hbm>> -> memref<32768xf32, #tpu.memory_space<hbm>>
        %dma_wait3A_184 = arith.constant 0 : i32
        %dma_wait3A_185 = tpu.memref_slice %arg3[%dma_wait3A_184] : memref<106496000xf32, #tpu.memory_space<hbm>> -> memref<32768xf32, #tpu.memory_space<hbm>>
        tpu.wait_dma2 semaphore(%arg8 : memref<!tpu.dma_semaphore, #tpu.memory_space<semaphore_mem>>) src(%dma_wait3A_185 : memref<32768xf32, #tpu.memory_space<hbm>>) dst(%arg6 : memref<32768xf32, #tpu.memory_space<vmem>>)
        %sub3A_186 = arith.constant 2 : i32
        %sub3A_187 = arith.subi %add3A_170, %sub3A_186 : i32
        %ge3A_188 = arith.cmpi sge, %sub3A_187, %mul3A_100 : i32
        %jit3A_189 = arith.constant 4096 : i32
        %jit3A_190 = arith.constant 0 : i32
        %select_n3A_191 = arith.select %ge3A_188, %jit3A_189, %jit3A_190 : i32
        %jit3A_192 = arith.constant 125 : i32
        %eq3A = arith.constant 0 : i32
        %eq3A_193 = arith.cmpi eq, %jit3A_192, %eq3A : i32
        %jit3A_194 = arith.constant 1 : i32
        %select_n3A_195 = arith.select %eq3A_193, %jit3A_194, %jit3A_192 : i32
        %rem3A_196 = arith.remsi %sub3A_187, %select_n3A_195 : i32
        %ne3A_197 = arith.constant 0 : i32
        %ne3A_198 = arith.cmpi ne, %rem3A_196, %ne3A_197 : i32
        %lt3A_199 = arith.constant 0 : i32
        %lt3A_200 = arith.cmpi slt, %rem3A_196, %lt3A_199 : i32
        %lt3A_201 = arith.constant 0 : i32
        %lt3A_202 = arith.cmpi slt, %select_n3A_195, %lt3A_201 : i32
        %ne3A_203 = arith.xori %lt3A_200, %lt3A_202 : i1
        %and3A_204 = arith.andi %ne3A_203, %ne3A_198 : i1
        %add3A_205 = arith.addi %rem3A_196, %select_n3A_195 : i32
        %select_n3A_206 = arith.select %and3A_204, %add3A_205, %rem3A_196 : i32
        %mul3A_207 = arith.constant 8 : i32
        %mul3A_208 = arith.muli %select_n3A_206, %mul3A_207 : i32
        %scan3A_209 = arith.constant 0 : i32
        %scan3A_210 = arith.constant 0 : i32
        %scan3A_211 = arith.constant 256 : i32
        %scan3A_212 = arith.addi %scan3A_210, %scan3A_211 : i32
        %scan3A_213 = arith.constant 1 : i32
        scf.for %scan3A_215 = %scan3A_210 to %scan3A_212 step %scan3A_213  : i32 {
          %mul3A_216 = arith.constant 16 : i32
          %mul3A_217 = arith.muli %scan3A_215, %mul3A_216 : i32
          %add3A_218 = arith.addi %select_n3A_191, %mul3A_217 : i32
          %get3A = arith.index_cast %add3A_218 : i32 to index
          %get3A_219 = tpu.vector_load %arg4[%get3A] {strides = array<i32>} : memref<8192xi32, #tpu.memory_space<vmem>>, vector<16xi32>,
          %eq3A_220 = arith.constant 0 : i32
          %eq3A_221 = vector.broadcast %eq3A_220 : i32 to vector<16xi32>
          %eq3A_222 = arith.cmpi eq, %get3A_219, %eq3A_221 : vector<16xi32>
          %sub3A_223 = arith.constant 1 : i32
          %sub3A_224 = vector.broadcast %sub3A_223 : i32 to vector<16xi32>
          %sub3A_225 = arith.subi %get3A_219, %sub3A_224 : vector<16xi32>
          %jit3A_226 = arith.constant 0 : i32
          %broadcast_in_dim3A = vector.broadcast %jit3A_226 : i32 to vector<16xi32>
          %select_n3A_227 = arith.select %eq3A_222, %broadcast_in_dim3A, %sub3A_225 : vector<16xi1>, vector<16xi32>
          %sub3A_228 = vector.broadcast %mul3A_208 : i32 to vector<16xi32>
          %sub3A_229 = arith.subi %select_n3A_227, %sub3A_228 : vector<16xi32>
          %ge3A_230 = arith.constant 0 : i32
          %ge3A_231 = vector.broadcast %ge3A_230 : i32 to vector<16xi32>
          %ge3A_232 = arith.cmpi sge, %sub3A_229, %ge3A_231 : vector<16xi32>
          %lt3A_233 = arith.constant 8 : i32
          %lt3A_234 = vector.broadcast %lt3A_233 : i32 to vector<16xi32>
          %lt3A_235 = arith.cmpi slt, %sub3A_229, %lt3A_234 : vector<16xi32>
          %and3A_236 = arith.andi %ge3A_232, %lt3A_235 : vector<16xi1>
          %jit3A_237 = arith.constant 8 : i32
          %div3A_238 = arith.divsi %scan3A_215, %jit3A_237 : i32
          %sign3A_239 = arith.constant 0 : i32
          %sign3A_240 = arith.cmpi sgt, %scan3A_215, %sign3A_239 : i32
          %sign3A_241 = arith.extui %sign3A_240 : i1 to i32
          %sign3A_242 = arith.constant 0 : i32
          %sign3A_243 = arith.cmpi slt, %scan3A_215, %sign3A_242 : i32
          %sign3A_244 = arith.extui %sign3A_243 : i1 to i32
          %sign3A_245 = arith.subi %sign3A_241, %sign3A_244 : i32
          %sign3A_246 = arith.constant 0 : i32
          %sign3A_247 = arith.cmpi sgt, %jit3A_237, %sign3A_246 : i32
          %sign3A_248 = arith.extui %sign3A_247 : i1 to i32
          %sign3A_249 = arith.constant 0 : i32
          %sign3A_250 = arith.cmpi slt, %jit3A_237, %sign3A_249 : i32
          %sign3A_251 = arith.extui %sign3A_250 : i1 to i32
          %sign3A_252 = arith.subi %sign3A_248, %sign3A_251 : i32
          %ne3A_253 = arith.cmpi ne, %sign3A_245, %sign3A_252 : i32
          %rem3A_254 = arith.remsi %scan3A_215, %jit3A_237 : i32
          %ne3A_255 = arith.constant 0 : i32
          %ne3A_256 = arith.cmpi ne, %rem3A_254, %ne3A_255 : i32
          %and3A_257 = arith.andi %ne3A_253, %ne3A_256 : i1
          %sub3A_258 = arith.constant 1 : i32
          %sub3A_259 = arith.subi %div3A_238, %sub3A_258 : i32
          %select_n3A_260 = arith.select %and3A_257, %sub3A_259, %div3A_238 : i32
          %mul3A_261 = arith.constant 1024 : i32
          %mul3A_262 = arith.muli %select_n3A_260, %mul3A_261 : i32
          %mul3A_263 = arith.constant 128 : i32
          %mul3A_264 = vector.broadcast %mul3A_263 : i32 to vector<16xi32>
          %mul3A_265 = arith.muli %sub3A_229, %mul3A_264 : vector<16xi32>
          %add3A_266 = vector.broadcast %mul3A_262 : i32 to vector<16xi32>
          %add3A_267 = arith.addi %add3A_266, %mul3A_265 : vector<16xi32>
          %jit3A_268 = arith.constant 8 : i32
          %eq3A_269 = arith.constant 0 : i32
          %eq3A_270 = arith.cmpi eq, %jit3A_268, %eq3A_269 : i32
          %jit3A_271 = arith.constant 1 : i32
          %select_n3A_272 = arith.select %eq3A_270, %jit3A_271, %jit3A_268 : i32
          %rem3A_273 = arith.remsi %scan3A_215, %select_n3A_272 : i32
          %ne3A_274 = arith.constant 0 : i32
          %ne3A_275 = arith.cmpi ne, %rem3A_273, %ne3A_274 : i32
          %lt3A_276 = arith.constant 0 : i32
          %lt3A_277 = arith.cmpi slt, %rem3A_273, %lt3A_276 : i32
          %lt3A_278 = arith.constant 0 : i32
          %lt3A_279 = arith.cmpi slt, %select_n3A_272, %lt3A_278 : i32
          %ne3A_280 = arith.xori %lt3A_277, %lt3A_279 : i1
          %and3A_281 = arith.andi %ne3A_280, %ne3A_275 : i1
          %add3A_282 = arith.addi %rem3A_273, %select_n3A_272 : i32
          %select_n3A_283 = arith.select %and3A_281, %add3A_282, %rem3A_273 : i32
          %mul3A_284 = arith.constant 16 : i32
          %mul3A_285 = arith.muli %select_n3A_283, %mul3A_284 : i32
          %add3A_286 = vector.broadcast %mul3A_285 : i32 to vector<16xi32>
          %add3A_287 = arith.addi %add3A_267, %add3A_286 : vector<16xi32>
          %iota3A = tpu.iota {dimensions = array<i32: 0>} : vector<16xi32>
          %add3A_288 = arith.addi %add3A_287, %iota3A : vector<16xi32>
          %jit3A_289 = arith.constant 0 : i32
          %broadcast_in_dim3A_290 = vector.broadcast %jit3A_289 : i32 to vector<16xi32>
          %select_n3A_291 = arith.select %and3A_236, %add3A_288, %broadcast_in_dim3A_290 : vector<16xi1>, vector<16xi32>
          %broadcast_in_dim3A_292 = arith.constant 0.000000e+00 : f32
          %broadcast_in_dim3A_293 = vector.broadcast %broadcast_in_dim3A_292 : f32 to vector<16xf32>
          tpu.vector_store_idx %arg6[%select_n3A_291], %broadcast_in_dim3A_293 masked %and3A_236 : memref<32768xf32, #tpu.memory_space<vmem>>[vector<16xi32>], vector<16xf32>, vector<16xi1>
        }
        %scan3A_214 = arith.constant 256 : i32
      } else {
      }
      %convert_element_type3A_179 = arith.extui %lt3A_171 : i1 to i32
      %cond3A_180 = arith.constant 0 : i32
      %cond3A_181 = arith.cmpi ne, %convert_element_type3A_179, %cond3A_180 : i32
      scf.if %cond3A_181 {
        %ge3A_182 = arith.cmpi sge, %add3A_170, %mul3A_100 : i32
        %jit3A_183 = arith.constant 4096 : i32
        %jit3A_184 = arith.constant 0 : i32
        %select_n3A_185 = arith.select %ge3A_182, %jit3A_183, %jit3A_184 : i32
        %jit3A_186 = arith.constant 125 : i32
        %eq3A = arith.constant 0 : i32
        %eq3A_187 = arith.cmpi eq, %jit3A_186, %eq3A : i32
        %jit3A_188 = arith.constant 1 : i32
        %select_n3A_189 = arith.select %eq3A_187, %jit3A_188, %jit3A_186 : i32
        %rem3A_190 = arith.remsi %add3A_170, %select_n3A_189 : i32
        %ne3A_191 = arith.constant 0 : i32
        %ne3A_192 = arith.cmpi ne, %rem3A_190, %ne3A_191 : i32
        %lt3A_193 = arith.constant 0 : i32
        %lt3A_194 = arith.cmpi slt, %rem3A_190, %lt3A_193 : i32
        %lt3A_195 = arith.constant 0 : i32
        %lt3A_196 = arith.cmpi slt, %select_n3A_189, %lt3A_195 : i32
        %ne3A_197 = arith.xori %lt3A_194, %lt3A_196 : i1
        %and3A_198 = arith.andi %ne3A_197, %ne3A_192 : i1
        %add3A_199 = arith.addi %rem3A_190, %select_n3A_189 : i32
        %select_n3A_200 = arith.select %and3A_198, %add3A_199, %rem3A_190 : i32
        %mul3A_201 = arith.constant 8 : i32
        %mul3A_202 = arith.muli %select_n3A_200, %mul3A_201 : i32
        %scan3A_203 = arith.constant 0 : i32
        %scan3A_204 = arith.constant 0 : i32
        %scan3A_205 = arith.constant 256 : i32
        %scan3A_206 = arith.addi %scan3A_204, %scan3A_205 : i32
        %scan3A_207 = arith.constant 1 : i32
        scf.for %scan3A_212 = %scan3A_204 to %scan3A_206 step %scan3A_207  : i32 {
          %mul3A_213 = arith.constant 16 : i32
          %mul3A_214 = arith.muli %scan3A_212, %mul3A_213 : i32
          %add3A_215 = arith.addi %select_n3A_185, %mul3A_214 : i32
          %get3A = arith.index_cast %add3A_215 : i32 to index
          %get3A_216 = tpu.vector_load %arg4[%get3A] {strides = array<i32>} : memref<8192xi32, #tpu.memory_space<vmem>>, vector<16xi32>,
          %eq3A_217 = arith.constant 0 : i32
          %eq3A_218 = vector.broadcast %eq3A_217 : i32 to vector<16xi32>
          %eq3A_219 = arith.cmpi eq, %get3A_216, %eq3A_218 : vector<16xi32>
          %sub3A_220 = arith.constant 1 : i32
          %sub3A_221 = vector.broadcast %sub3A_220 : i32 to vector<16xi32>
          %sub3A_222 = arith.subi %get3A_216, %sub3A_221 : vector<16xi32>
          %jit3A_223 = arith.constant 0 : i32
          %broadcast_in_dim3A = vector.broadcast %jit3A_223 : i32 to vector<16xi32>
          %select_n3A_224 = arith.select %eq3A_219, %broadcast_in_dim3A, %sub3A_222 : vector<16xi1>, vector<16xi32>
          %sub3A_225 = vector.broadcast %mul3A_202 : i32 to vector<16xi32>
          %sub3A_226 = arith.subi %select_n3A_224, %sub3A_225 : vector<16xi32>
          %ge3A_227 = arith.constant 0 : i32
          %ge3A_228 = vector.broadcast %ge3A_227 : i32 to vector<16xi32>
          %ge3A_229 = arith.cmpi sge, %sub3A_226, %ge3A_228 : vector<16xi32>
          %lt3A_230 = arith.constant 8 : i32
          %lt3A_231 = vector.broadcast %lt3A_230 : i32 to vector<16xi32>
          %lt3A_232 = arith.cmpi slt, %sub3A_226, %lt3A_231 : vector<16xi32>
          %and3A_233 = arith.andi %ge3A_229, %lt3A_232 : vector<16xi1>
          %jit3A_234 = arith.constant 8 : i32
          %div3A_235 = arith.divsi %scan3A_212, %jit3A_234 : i32
          %sign3A_236 = arith.constant 0 : i32
          %sign3A_237 = arith.cmpi sgt, %scan3A_212, %sign3A_236 : i32
          %sign3A_238 = arith.extui %sign3A_237 : i1 to i32
          %sign3A_239 = arith.constant 0 : i32
          %sign3A_240 = arith.cmpi slt, %scan3A_212, %sign3A_239 : i32
          %sign3A_241 = arith.extui %sign3A_240 : i1 to i32
          %sign3A_242 = arith.subi %sign3A_238, %sign3A_241 : i32
          %sign3A_243 = arith.constant 0 : i32
          %sign3A_244 = arith.cmpi sgt, %jit3A_234, %sign3A_243 : i32
          %sign3A_245 = arith.extui %sign3A_244 : i1 to i32
          %sign3A_246 = arith.constant 0 : i32
          %sign3A_247 = arith.cmpi slt, %jit3A_234, %sign3A_246 : i32
          %sign3A_248 = arith.extui %sign3A_247 : i1 to i32
          %sign3A_249 = arith.subi %sign3A_245, %sign3A_248 : i32
          %ne3A_250 = arith.cmpi ne, %sign3A_242, %sign3A_249 : i32
          %rem3A_251 = arith.remsi %scan3A_212, %jit3A_234 : i32
          %ne3A_252 = arith.constant 0 : i32
          %ne3A_253 = arith.cmpi ne, %rem3A_251, %ne3A_252 : i32
          %and3A_254 = arith.andi %ne3A_250, %ne3A_253 : i1
          %sub3A_255 = arith.constant 1 : i32
          %sub3A_256 = arith.subi %div3A_235, %sub3A_255 : i32
          %select_n3A_257 = arith.select %and3A_254, %sub3A_256, %div3A_235 : i32
          %mul3A_258 = arith.constant 1024 : i32
          %mul3A_259 = arith.muli %select_n3A_257, %mul3A_258 : i32
          %mul3A_260 = arith.constant 128 : i32
          %mul3A_261 = vector.broadcast %mul3A_260 : i32 to vector<16xi32>
          %mul3A_262 = arith.muli %sub3A_226, %mul3A_261 : vector<16xi32>
          %add3A_263 = vector.broadcast %mul3A_259 : i32 to vector<16xi32>
          %add3A_264 = arith.addi %add3A_263, %mul3A_262 : vector<16xi32>
          %jit3A_265 = arith.constant 8 : i32
          %eq3A_266 = arith.constant 0 : i32
          %eq3A_267 = arith.cmpi eq, %jit3A_265, %eq3A_266 : i32
          %jit3A_268 = arith.constant 1 : i32
          %select_n3A_269 = arith.select %eq3A_267, %jit3A_268, %jit3A_265 : i32
          %rem3A_270 = arith.remsi %scan3A_212, %select_n3A_269 : i32
          %ne3A_271 = arith.constant 0 : i32
          %ne3A_272 = arith.cmpi ne, %rem3A_270, %ne3A_271 : i32
          %lt3A_273 = arith.constant 0 : i32
          %lt3A_274 = arith.cmpi slt, %rem3A_270, %lt3A_273 : i32
          %lt3A_275 = arith.constant 0 : i32
          %lt3A_276 = arith.cmpi slt, %select_n3A_269, %lt3A_275 : i32
          %ne3A_277 = arith.xori %lt3A_274, %lt3A_276 : i1
          %and3A_278 = arith.andi %ne3A_277, %ne3A_272 : i1
          %add3A_279 = arith.addi %rem3A_270, %select_n3A_269 : i32
          %select_n3A_280 = arith.select %and3A_278, %add3A_279, %rem3A_270 : i32
          %mul3A_281 = arith.constant 16 : i32
          %mul3A_282 = arith.muli %select_n3A_280, %mul3A_281 : i32
          %add3A_283 = vector.broadcast %mul3A_282 : i32 to vector<16xi32>
          %add3A_284 = arith.addi %add3A_264, %add3A_283 : vector<16xi32>
          %iota3A = tpu.iota {dimensions = array<i32: 0>} : vector<16xi32>
          %add3A_285 = arith.addi %add3A_284, %iota3A : vector<16xi32>
          %jit3A_286 = arith.constant 0 : i32
          %broadcast_in_dim3A_287 = vector.broadcast %jit3A_286 : i32 to vector<16xi32>
          %select_n3A_288 = arith.select %and3A_233, %add3A_285, %broadcast_in_dim3A_287 : vector<16xi1>, vector<16xi32>
          %broadcast_in_dim3A_289 = arith.constant -1.000000e+00 : f32
          %broadcast_in_dim3A_290 = vector.broadcast %broadcast_in_dim3A_289 : f32 to vector<16xf32>
          tpu.vector_store_idx %arg6[%select_n3A_288], %broadcast_in_dim3A_290 masked %and3A_233 : memref<32768xf32, #tpu.memory_space<vmem>>[vector<16xi32>], vector<16xf32>, vector<16xi1>
        }
        %scan3A_208 = arith.constant 256 : i32
        %mul3A_209 = arith.constant 32768 : i32
        %mul3A_210 = arith.muli %add3A_170, %mul3A_209 : i32
        %dma_start3A = tpu.memref_slice %arg3[%mul3A_210] : memref<106496000xf32, #tpu.memory_space<hbm>> -> memref<32768xf32, #tpu.memory_space<hbm>>
        %dma_start3A_211 = tpu.memref_slice %arg3[%mul3A_210] : memref<106496000xf32, #tpu.memory_space<hbm>> -> memref<32768xf32, #tpu.memory_space<hbm>>
        tpu.enqueue_dma source(%arg6 : memref<32768xf32, #tpu.memory_space<vmem>>) target(%dma_start3A_211 : memref<32768xf32, #tpu.memory_space<hbm>>) target_semaphore(%arg8 : memref<!tpu.dma_semaphore, #tpu.memory_space<semaphore_mem>>)
      } else {
      }
    }
    %while3A_145 = arith.constant 1 : i32
    scf.for %while3A_153 = %while3A_143 to %while3A_139 step %while3A_145  : i32 {
      %mul3A_154 = arith.constant 2 : i32
      %mul3A_155 = arith.muli %while3A_153, %mul3A_154 : i32
      %add3A_156 = arith.addi %select_n3A, %mul3A_155 : i32
      %add3A_157 = arith.constant 0 : i32
      %add3A_158 = arith.addi %add3A_156, %add3A_157 : i32
      %lt3A = arith.cmpi slt, %add3A_158, %select_n3A_46 : i32
      %sub3A_159 = arith.subi %add3A_158, %select_n3A : i32
      %ge3A = arith.constant 2 : i32
      %ge3A_160 = arith.cmpi sge, %sub3A_159, %ge3A : i32
      %and3A_161 = arith.andi %lt3A, %ge3A_160 : i1
      %convert_element_type3A = arith.extui %and3A_161 : i1 to i32
      %cond3A = arith.constant 0 : i32
      %cond3A_162 = arith.cmpi ne, %convert_element_type3A, %cond3A : i32
      scf.if %cond3A_162 {
        %dma_wait3A_182 = arith.constant 0 : i32
        %dma_wait3A_183 = tpu.memref_slice %arg3[%dma_wait3A_182] : memref<106496000xf32, #tpu.memory_space<hbm>> -> memref<32768xf32, #tpu.memory_space<hbm>>
        %dma_wait3A_184 = arith.constant 0 : i32
        %dma_wait3A_185 = tpu.memref_slice %arg3[%dma_wait3A_184] : memref<106496000xf32, #tpu.memory_space<hbm>> -> memref<32768xf32, #tpu.memory_space<hbm>>
        tpu.wait_dma2 semaphore(%arg7 : memref<!tpu.dma_semaphore, #tpu.memory_space<semaphore_mem>>) src(%dma_wait3A_185 : memref<32768xf32, #tpu.memory_space<hbm>>) dst(%arg5 : memref<32768xf32, #tpu.memory_space<vmem>>)
        %sub3A_186 = arith.constant 2 : i32
        %sub3A_187 = arith.subi %add3A_158, %sub3A_186 : i32
        %ge3A_188 = arith.cmpi sge, %sub3A_187, %mul3A_100 : i32
        %jit3A_189 = arith.constant 4096 : i32
        %jit3A_190 = arith.constant 0 : i32
        %select_n3A_191 = arith.select %ge3A_188, %jit3A_189, %jit3A_190 : i32
        %jit3A_192 = arith.constant 125 : i32
        %eq3A = arith.constant 0 : i32
        %eq3A_193 = arith.cmpi eq, %jit3A_192, %eq3A : i32
        %jit3A_194 = arith.constant 1 : i32
        %select_n3A_195 = arith.select %eq3A_193, %jit3A_194, %jit3A_192 : i32
        %rem3A_196 = arith.remsi %sub3A_187, %select_n3A_195 : i32
        %ne3A_197 = arith.constant 0 : i32
        %ne3A_198 = arith.cmpi ne, %rem3A_196, %ne3A_197 : i32
        %lt3A_199 = arith.constant 0 : i32
        %lt3A_200 = arith.cmpi slt, %rem3A_196, %lt3A_199 : i32
        %lt3A_201 = arith.constant 0 : i32
        %lt3A_202 = arith.cmpi slt, %select_n3A_195, %lt3A_201 : i32
        %ne3A_203 = arith.xori %lt3A_200, %lt3A_202 : i1
        %and3A_204 = arith.andi %ne3A_203, %ne3A_198 : i1
        %add3A_205 = arith.addi %rem3A_196, %select_n3A_195 : i32
        %select_n3A_206 = arith.select %and3A_204, %add3A_205, %rem3A_196 : i32
        %mul3A_207 = arith.constant 8 : i32
        %mul3A_208 = arith.muli %select_n3A_206, %mul3A_207 : i32
        %scan3A_209 = arith.constant 0 : i32
        %scan3A_210 = arith.constant 0 : i32
        %scan3A_211 = arith.constant 256 : i32
        %scan3A_212 = arith.addi %scan3A_210, %scan3A_211 : i32
        %scan3A_213 = arith.constant 1 : i32
        scf.for %scan3A_215 = %scan3A_210 to %scan3A_212 step %scan3A_213  : i32 {
          %mul3A_216 = arith.constant 16 : i32
          %mul3A_217 = arith.muli %scan3A_215, %mul3A_216 : i32
          %add3A_218 = arith.addi %select_n3A_191, %mul3A_217 : i32
          %get3A = arith.index_cast %add3A_218 : i32 to index
          %get3A_219 = tpu.vector_load %arg4[%get3A] {strides = array<i32>} : memref<8192xi32, #tpu.memory_space<vmem>>, vector<16xi32>,
          %eq3A_220 = arith.constant 0 : i32
          %eq3A_221 = vector.broadcast %eq3A_220 : i32 to vector<16xi32>
          %eq3A_222 = arith.cmpi eq, %get3A_219, %eq3A_221 : vector<16xi32>
          %sub3A_223 = arith.constant 1 : i32
          %sub3A_224 = vector.broadcast %sub3A_223 : i32 to vector<16xi32>
          %sub3A_225 = arith.subi %get3A_219, %sub3A_224 : vector<16xi32>
          %jit3A_226 = arith.constant 0 : i32
          %broadcast_in_dim3A = vector.broadcast %jit3A_226 : i32 to vector<16xi32>
          %select_n3A_227 = arith.select %eq3A_222, %broadcast_in_dim3A, %sub3A_225 : vector<16xi1>, vector<16xi32>
          %sub3A_228 = vector.broadcast %mul3A_208 : i32 to vector<16xi32>
          %sub3A_229 = arith.subi %select_n3A_227, %sub3A_228 : vector<16xi32>
          %ge3A_230 = arith.constant 0 : i32
          %ge3A_231 = vector.broadcast %ge3A_230 : i32 to vector<16xi32>
          %ge3A_232 = arith.cmpi sge, %sub3A_229, %ge3A_231 : vector<16xi32>
          %lt3A_233 = arith.constant 8 : i32
          %lt3A_234 = vector.broadcast %lt3A_233 : i32 to vector<16xi32>
          %lt3A_235 = arith.cmpi slt, %sub3A_229, %lt3A_234 : vector<16xi32>
          %and3A_236 = arith.andi %ge3A_232, %lt3A_235 : vector<16xi1>
          %jit3A_237 = arith.constant 8 : i32
          %div3A_238 = arith.divsi %scan3A_215, %jit3A_237 : i32
          %sign3A_239 = arith.constant 0 : i32
          %sign3A_240 = arith.cmpi sgt, %scan3A_215, %sign3A_239 : i32
          %sign3A_241 = arith.extui %sign3A_240 : i1 to i32
          %sign3A_242 = arith.constant 0 : i32
          %sign3A_243 = arith.cmpi slt, %scan3A_215, %sign3A_242 : i32
          %sign3A_244 = arith.extui %sign3A_243 : i1 to i32
          %sign3A_245 = arith.subi %sign3A_241, %sign3A_244 : i32
          %sign3A_246 = arith.constant 0 : i32
          %sign3A_247 = arith.cmpi sgt, %jit3A_237, %sign3A_246 : i32
          %sign3A_248 = arith.extui %sign3A_247 : i1 to i32
          %sign3A_249 = arith.constant 0 : i32
          %sign3A_250 = arith.cmpi slt, %jit3A_237, %sign3A_249 : i32
          %sign3A_251 = arith.extui %sign3A_250 : i1 to i32
          %sign3A_252 = arith.subi %sign3A_248, %sign3A_251 : i32
          %ne3A_253 = arith.cmpi ne, %sign3A_245, %sign3A_252 : i32
          %rem3A_254 = arith.remsi %scan3A_215, %jit3A_237 : i32
          %ne3A_255 = arith.constant 0 : i32
          %ne3A_256 = arith.cmpi ne, %rem3A_254, %ne3A_255 : i32
          %and3A_257 = arith.andi %ne3A_253, %ne3A_256 : i1
          %sub3A_258 = arith.constant 1 : i32
          %sub3A_259 = arith.subi %div3A_238, %sub3A_258 : i32
          %select_n3A_260 = arith.select %and3A_257, %sub3A_259, %div3A_238 : i32
          %mul3A_261 = arith.constant 1024 : i32
          %mul3A_262 = arith.muli %select_n3A_260, %mul3A_261 : i32
          %mul3A_263 = arith.constant 128 : i32
          %mul3A_264 = vector.broadcast %mul3A_263 : i32 to vector<16xi32>
          %mul3A_265 = arith.muli %sub3A_229, %mul3A_264 : vector<16xi32>
          %add3A_266 = vector.broadcast %mul3A_262 : i32 to vector<16xi32>
          %add3A_267 = arith.addi %add3A_266, %mul3A_265 : vector<16xi32>
          %jit3A_268 = arith.constant 8 : i32
          %eq3A_269 = arith.constant 0 : i32
          %eq3A_270 = arith.cmpi eq, %jit3A_268, %eq3A_269 : i32
          %jit3A_271 = arith.constant 1 : i32
          %select_n3A_272 = arith.select %eq3A_270, %jit3A_271, %jit3A_268 : i32
          %rem3A_273 = arith.remsi %scan3A_215, %select_n3A_272 : i32
          %ne3A_274 = arith.constant 0 : i32
          %ne3A_275 = arith.cmpi ne, %rem3A_273, %ne3A_274 : i32
          %lt3A_276 = arith.constant 0 : i32
          %lt3A_277 = arith.cmpi slt, %rem3A_273, %lt3A_276 : i32
          %lt3A_278 = arith.constant 0 : i32
          %lt3A_279 = arith.cmpi slt, %select_n3A_272, %lt3A_278 : i32
          %ne3A_280 = arith.xori %lt3A_277, %lt3A_279 : i1
          %and3A_281 = arith.andi %ne3A_280, %ne3A_275 : i1
          %add3A_282 = arith.addi %rem3A_273, %select_n3A_272 : i32
          %select_n3A_283 = arith.select %and3A_281, %add3A_282, %rem3A_273 : i32
          %mul3A_284 = arith.constant 16 : i32
          %mul3A_285 = arith.muli %select_n3A_283, %mul3A_284 : i32
          %add3A_286 = vector.broadcast %mul3A_285 : i32 to vector<16xi32>
          %add3A_287 = arith.addi %add3A_267, %add3A_286 : vector<16xi32>
          %iota3A = tpu.iota {dimensions = array<i32: 0>} : vector<16xi32>
          %add3A_288 = arith.addi %add3A_287, %iota3A : vector<16xi32>
          %jit3A_289 = arith.constant 0 : i32
          %broadcast_in_dim3A_290 = vector.broadcast %jit3A_289 : i32 to vector<16xi32>
          %select_n3A_291 = arith.select %and3A_236, %add3A_288, %broadcast_in_dim3A_290 : vector<16xi1>, vector<16xi32>
          %broadcast_in_dim3A_292 = arith.constant 0.000000e+00 : f32
          %broadcast_in_dim3A_293 = vector.broadcast %broadcast_in_dim3A_292 : f32 to vector<16xf32>
          tpu.vector_store_idx %arg5[%select_n3A_291], %broadcast_in_dim3A_293 masked %and3A_236 : memref<32768xf32, #tpu.memory_space<vmem>>[vector<16xi32>], vector<16xf32>, vector<16xi1>
        }
        %scan3A_214 = arith.constant 256 : i32
      } else {
      }
      %convert_element_type3A_163 = arith.extui %lt3A : i1 to i32
      %cond3A_164 = arith.constant 0 : i32
      %cond3A_165 = arith.cmpi ne, %convert_element_type3A_163, %cond3A_164 : i32
      scf.if %cond3A_165 {
        %ge3A_182 = arith.cmpi sge, %add3A_158, %mul3A_100 : i32
        %jit3A_183 = arith.constant 4096 : i32
        %jit3A_184 = arith.constant 0 : i32
        %select_n3A_185 = arith.select %ge3A_182, %jit3A_183, %jit3A_184 : i32
        %jit3A_186 = arith.constant 125 : i32
        %eq3A = arith.constant 0 : i32
        %eq3A_187 = arith.cmpi eq, %jit3A_186, %eq3A : i32
        %jit3A_188 = arith.constant 1 : i32
        %select_n3A_189 = arith.select %eq3A_187, %jit3A_188, %jit3A_186 : i32
        %rem3A_190 = arith.remsi %add3A_158, %select_n3A_189 : i32
        %ne3A_191 = arith.constant 0 : i32
        %ne3A_192 = arith.cmpi ne, %rem3A_190, %ne3A_191 : i32
        %lt3A_193 = arith.constant 0 : i32
        %lt3A_194 = arith.cmpi slt, %rem3A_190, %lt3A_193 : i32
        %lt3A_195 = arith.constant 0 : i32
        %lt3A_196 = arith.cmpi slt, %select_n3A_189, %lt3A_195 : i32
        %ne3A_197 = arith.xori %lt3A_194, %lt3A_196 : i1
        %and3A_198 = arith.andi %ne3A_197, %ne3A_192 : i1
        %add3A_199 = arith.addi %rem3A_190, %select_n3A_189 : i32
        %select_n3A_200 = arith.select %and3A_198, %add3A_199, %rem3A_190 : i32
        %mul3A_201 = arith.constant 8 : i32
        %mul3A_202 = arith.muli %select_n3A_200, %mul3A_201 : i32
        %scan3A_203 = arith.constant 0 : i32
        %scan3A_204 = arith.constant 0 : i32
        %scan3A_205 = arith.constant 256 : i32
        %scan3A_206 = arith.addi %scan3A_204, %scan3A_205 : i32
        %scan3A_207 = arith.constant 1 : i32
        scf.for %scan3A_212 = %scan3A_204 to %scan3A_206 step %scan3A_207  : i32 {
          %mul3A_213 = arith.constant 16 : i32
          %mul3A_214 = arith.muli %scan3A_212, %mul3A_213 : i32
          %add3A_215 = arith.addi %select_n3A_185, %mul3A_214 : i32
          %get3A = arith.index_cast %add3A_215 : i32 to index
          %get3A_216 = tpu.vector_load %arg4[%get3A] {strides = array<i32>} : memref<8192xi32, #tpu.memory_space<vmem>>, vector<16xi32>,
          %eq3A_217 = arith.constant 0 : i32
          %eq3A_218 = vector.broadcast %eq3A_217 : i32 to vector<16xi32>
          %eq3A_219 = arith.cmpi eq, %get3A_216, %eq3A_218 : vector<16xi32>
          %sub3A_220 = arith.constant 1 : i32
          %sub3A_221 = vector.broadcast %sub3A_220 : i32 to vector<16xi32>
          %sub3A_222 = arith.subi %get3A_216, %sub3A_221 : vector<16xi32>
          %jit3A_223 = arith.constant 0 : i32
          %broadcast_in_dim3A = vector.broadcast %jit3A_223 : i32 to vector<16xi32>
          %select_n3A_224 = arith.select %eq3A_219, %broadcast_in_dim3A, %sub3A_222 : vector<16xi1>, vector<16xi32>
          %sub3A_225 = vector.broadcast %mul3A_202 : i32 to vector<16xi32>
          %sub3A_226 = arith.subi %select_n3A_224, %sub3A_225 : vector<16xi32>
          %ge3A_227 = arith.constant 0 : i32
          %ge3A_228 = vector.broadcast %ge3A_227 : i32 to vector<16xi32>
          %ge3A_229 = arith.cmpi sge, %sub3A_226, %ge3A_228 : vector<16xi32>
          %lt3A_230 = arith.constant 8 : i32
          %lt3A_231 = vector.broadcast %lt3A_230 : i32 to vector<16xi32>
          %lt3A_232 = arith.cmpi slt, %sub3A_226, %lt3A_231 : vector<16xi32>
          %and3A_233 = arith.andi %ge3A_229, %lt3A_232 : vector<16xi1>
          %jit3A_234 = arith.constant 8 : i32
          %div3A_235 = arith.divsi %scan3A_212, %jit3A_234 : i32
          %sign3A_236 = arith.constant 0 : i32
          %sign3A_237 = arith.cmpi sgt, %scan3A_212, %sign3A_236 : i32
          %sign3A_238 = arith.extui %sign3A_237 : i1 to i32
          %sign3A_239 = arith.constant 0 : i32
          %sign3A_240 = arith.cmpi slt, %scan3A_212, %sign3A_239 : i32
          %sign3A_241 = arith.extui %sign3A_240 : i1 to i32
          %sign3A_242 = arith.subi %sign3A_238, %sign3A_241 : i32
          %sign3A_243 = arith.constant 0 : i32
          %sign3A_244 = arith.cmpi sgt, %jit3A_234, %sign3A_243 : i32
          %sign3A_245 = arith.extui %sign3A_244 : i1 to i32
          %sign3A_246 = arith.constant 0 : i32
          %sign3A_247 = arith.cmpi slt, %jit3A_234, %sign3A_246 : i32
          %sign3A_248 = arith.extui %sign3A_247 : i1 to i32
          %sign3A_249 = arith.subi %sign3A_245, %sign3A_248 : i32
          %ne3A_250 = arith.cmpi ne, %sign3A_242, %sign3A_249 : i32
          %rem3A_251 = arith.remsi %scan3A_212, %jit3A_234 : i32
          %ne3A_252 = arith.constant 0 : i32
          %ne3A_253 = arith.cmpi ne, %rem3A_251, %ne3A_252 : i32
          %and3A_254 = arith.andi %ne3A_250, %ne3A_253 : i1
          %sub3A_255 = arith.constant 1 : i32
          %sub3A_256 = arith.subi %div3A_235, %sub3A_255 : i32
          %select_n3A_257 = arith.select %and3A_254, %sub3A_256, %div3A_235 : i32
          %mul3A_258 = arith.constant 1024 : i32
          %mul3A_259 = arith.muli %select_n3A_257, %mul3A_258 : i32
          %mul3A_260 = arith.constant 128 : i32
          %mul3A_261 = vector.broadcast %mul3A_260 : i32 to vector<16xi32>
          %mul3A_262 = arith.muli %sub3A_226, %mul3A_261 : vector<16xi32>
          %add3A_263 = vector.broadcast %mul3A_259 : i32 to vector<16xi32>
          %add3A_264 = arith.addi %add3A_263, %mul3A_262 : vector<16xi32>
          %jit3A_265 = arith.constant 8 : i32
          %eq3A_266 = arith.constant 0 : i32
          %eq3A_267 = arith.cmpi eq, %jit3A_265, %eq3A_266 : i32
          %jit3A_268 = arith.constant 1 : i32
          %select_n3A_269 = arith.select %eq3A_267, %jit3A_268, %jit3A_265 : i32
          %rem3A_270 = arith.remsi %scan3A_212, %select_n3A_269 : i32
          %ne3A_271 = arith.constant 0 : i32
          %ne3A_272 = arith.cmpi ne, %rem3A_270, %ne3A_271 : i32
          %lt3A_273 = arith.constant 0 : i32
          %lt3A_274 = arith.cmpi slt, %rem3A_270, %lt3A_273 : i32
          %lt3A_275 = arith.constant 0 : i32
          %lt3A_276 = arith.cmpi slt, %select_n3A_269, %lt3A_275 : i32
          %ne3A_277 = arith.xori %lt3A_274, %lt3A_276 : i1
          %and3A_278 = arith.andi %ne3A_277, %ne3A_272 : i1
          %add3A_279 = arith.addi %rem3A_270, %select_n3A_269 : i32
          %select_n3A_280 = arith.select %and3A_278, %add3A_279, %rem3A_270 : i32
          %mul3A_281 = arith.constant 16 : i32
          %mul3A_282 = arith.muli %select_n3A_280, %mul3A_281 : i32
          %add3A_283 = vector.broadcast %mul3A_282 : i32 to vector<16xi32>
          %add3A_284 = arith.addi %add3A_264, %add3A_283 : vector<16xi32>
          %iota3A = tpu.iota {dimensions = array<i32: 0>} : vector<16xi32>
          %add3A_285 = arith.addi %add3A_284, %iota3A : vector<16xi32>
          %jit3A_286 = arith.constant 0 : i32
          %broadcast_in_dim3A_287 = vector.broadcast %jit3A_286 : i32 to vector<16xi32>
          %select_n3A_288 = arith.select %and3A_233, %add3A_285, %broadcast_in_dim3A_287 : vector<16xi1>, vector<16xi32>
          %broadcast_in_dim3A_289 = arith.constant -1.000000e+00 : f32
          %broadcast_in_dim3A_290 = vector.broadcast %broadcast_in_dim3A_289 : f32 to vector<16xf32>
          tpu.vector_store_idx %arg5[%select_n3A_288], %broadcast_in_dim3A_290 masked %and3A_233 : memref<32768xf32, #tpu.memory_space<vmem>>[vector<16xi32>], vector<16xf32>, vector<16xi1>
        }
        %scan3A_208 = arith.constant 256 : i32
        %mul3A_209 = arith.constant 32768 : i32
        %mul3A_210 = arith.muli %add3A_158, %mul3A_209 : i32
        %dma_start3A = tpu.memref_slice %arg3[%mul3A_210] : memref<106496000xf32, #tpu.memory_space<hbm>> -> memref<32768xf32, #tpu.memory_space<hbm>>
        %dma_start3A_211 = tpu.memref_slice %arg3[%mul3A_210] : memref<106496000xf32, #tpu.memory_space<hbm>> -> memref<32768xf32, #tpu.memory_space<hbm>>
        tpu.enqueue_dma source(%arg5 : memref<32768xf32, #tpu.memory_space<vmem>>) target(%dma_start3A_211 : memref<32768xf32, #tpu.memory_space<hbm>>) target_semaphore(%arg7 : memref<!tpu.dma_semaphore, #tpu.memory_space<semaphore_mem>>)
      } else {
      }
      %mul3A_166 = arith.constant 2 : i32
      %mul3A_167 = arith.muli %while3A_153, %mul3A_166 : i32
      %add3A_168 = arith.addi %select_n3A, %mul3A_167 : i32
      %add3A_169 = arith.constant 1 : i32
      %add3A_170 = arith.addi %add3A_168, %add3A_169 : i32
      %lt3A_171 = arith.cmpi slt, %add3A_170, %select_n3A_46 : i32
      %sub3A_172 = arith.subi %add3A_170, %select_n3A : i32
      %ge3A_173 = arith.constant 2 : i32
      %ge3A_174 = arith.cmpi sge, %sub3A_172, %ge3A_173 : i32
      %and3A_175 = arith.andi %lt3A_171, %ge3A_174 : i1
      %convert_element_type3A_176 = arith.extui %and3A_175 : i1 to i32
      %cond3A_177 = arith.constant 0 : i32
      %cond3A_178 = arith.cmpi ne, %convert_element_type3A_176, %cond3A_177 : i32
      scf.if %cond3A_178 {
        %dma_wait3A_182 = arith.constant 0 : i32
        %dma_wait3A_183 = tpu.memref_slice %arg3[%dma_wait3A_182] : memref<106496000xf32, #tpu.memory_space<hbm>> -> memref<32768xf32, #tpu.memory_space<hbm>>
        %dma_wait3A_184 = arith.constant 0 : i32
        %dma_wait3A_185 = tpu.memref_slice %arg3[%dma_wait3A_184] : memref<106496000xf32, #tpu.memory_space<hbm>> -> memref<32768xf32, #tpu.memory_space<hbm>>
        tpu.wait_dma2 semaphore(%arg8 : memref<!tpu.dma_semaphore, #tpu.memory_space<semaphore_mem>>) src(%dma_wait3A_185 : memref<32768xf32, #tpu.memory_space<hbm>>) dst(%arg6 : memref<32768xf32, #tpu.memory_space<vmem>>)
        %sub3A_186 = arith.constant 2 : i32
        %sub3A_187 = arith.subi %add3A_170, %sub3A_186 : i32
        %ge3A_188 = arith.cmpi sge, %sub3A_187, %mul3A_100 : i32
        %jit3A_189 = arith.constant 4096 : i32
        %jit3A_190 = arith.constant 0 : i32
        %select_n3A_191 = arith.select %ge3A_188, %jit3A_189, %jit3A_190 : i32
        %jit3A_192 = arith.constant 125 : i32
        %eq3A = arith.constant 0 : i32
        %eq3A_193 = arith.cmpi eq, %jit3A_192, %eq3A : i32
        %jit3A_194 = arith.constant 1 : i32
        %select_n3A_195 = arith.select %eq3A_193, %jit3A_194, %jit3A_192 : i32
        %rem3A_196 = arith.remsi %sub3A_187, %select_n3A_195 : i32
        %ne3A_197 = arith.constant 0 : i32
        %ne3A_198 = arith.cmpi ne, %rem3A_196, %ne3A_197 : i32
        %lt3A_199 = arith.constant 0 : i32
        %lt3A_200 = arith.cmpi slt, %rem3A_196, %lt3A_199 : i32
        %lt3A_201 = arith.constant 0 : i32
        %lt3A_202 = arith.cmpi slt, %select_n3A_195, %lt3A_201 : i32
        %ne3A_203 = arith.xori %lt3A_200, %lt3A_202 : i1
        %and3A_204 = arith.andi %ne3A_203, %ne3A_198 : i1
        %add3A_205 = arith.addi %rem3A_196, %select_n3A_195 : i32
        %select_n3A_206 = arith.select %and3A_204, %add3A_205, %rem3A_196 : i32
        %mul3A_207 = arith.constant 8 : i32
        %mul3A_208 = arith.muli %select_n3A_206, %mul3A_207 : i32
        %scan3A_209 = arith.constant 0 : i32
        %scan3A_210 = arith.constant 0 : i32
        %scan3A_211 = arith.constant 256 : i32
        %scan3A_212 = arith.addi %scan3A_210, %scan3A_211 : i32
        %scan3A_213 = arith.constant 1 : i32
        scf.for %scan3A_215 = %scan3A_210 to %scan3A_212 step %scan3A_213  : i32 {
          %mul3A_216 = arith.constant 16 : i32
          %mul3A_217 = arith.muli %scan3A_215, %mul3A_216 : i32
          %add3A_218 = arith.addi %select_n3A_191, %mul3A_217 : i32
          %get3A = arith.index_cast %add3A_218 : i32 to index
          %get3A_219 = tpu.vector_load %arg4[%get3A] {strides = array<i32>} : memref<8192xi32, #tpu.memory_space<vmem>>, vector<16xi32>,
          %eq3A_220 = arith.constant 0 : i32
          %eq3A_221 = vector.broadcast %eq3A_220 : i32 to vector<16xi32>
          %eq3A_222 = arith.cmpi eq, %get3A_219, %eq3A_221 : vector<16xi32>
          %sub3A_223 = arith.constant 1 : i32
          %sub3A_224 = vector.broadcast %sub3A_223 : i32 to vector<16xi32>
          %sub3A_225 = arith.subi %get3A_219, %sub3A_224 : vector<16xi32>
          %jit3A_226 = arith.constant 0 : i32
          %broadcast_in_dim3A = vector.broadcast %jit3A_226 : i32 to vector<16xi32>
          %select_n3A_227 = arith.select %eq3A_222, %broadcast_in_dim3A, %sub3A_225 : vector<16xi1>, vector<16xi32>
          %sub3A_228 = vector.broadcast %mul3A_208 : i32 to vector<16xi32>
          %sub3A_229 = arith.subi %select_n3A_227, %sub3A_228 : vector<16xi32>
          %ge3A_230 = arith.constant 0 : i32
          %ge3A_231 = vector.broadcast %ge3A_230 : i32 to vector<16xi32>
          %ge3A_232 = arith.cmpi sge, %sub3A_229, %ge3A_231 : vector<16xi32>
          %lt3A_233 = arith.constant 8 : i32
          %lt3A_234 = vector.broadcast %lt3A_233 : i32 to vector<16xi32>
          %lt3A_235 = arith.cmpi slt, %sub3A_229, %lt3A_234 : vector<16xi32>
          %and3A_236 = arith.andi %ge3A_232, %lt3A_235 : vector<16xi1>
          %jit3A_237 = arith.constant 8 : i32
          %div3A_238 = arith.divsi %scan3A_215, %jit3A_237 : i32
          %sign3A_239 = arith.constant 0 : i32
          %sign3A_240 = arith.cmpi sgt, %scan3A_215, %sign3A_239 : i32
          %sign3A_241 = arith.extui %sign3A_240 : i1 to i32
          %sign3A_242 = arith.constant 0 : i32
          %sign3A_243 = arith.cmpi slt, %scan3A_215, %sign3A_242 : i32
          %sign3A_244 = arith.extui %sign3A_243 : i1 to i32
          %sign3A_245 = arith.subi %sign3A_241, %sign3A_244 : i32
          %sign3A_246 = arith.constant 0 : i32
          %sign3A_247 = arith.cmpi sgt, %jit3A_237, %sign3A_246 : i32
          %sign3A_248 = arith.extui %sign3A_247 : i1 to i32
          %sign3A_249 = arith.constant 0 : i32
          %sign3A_250 = arith.cmpi slt, %jit3A_237, %sign3A_249 : i32
          %sign3A_251 = arith.extui %sign3A_250 : i1 to i32
          %sign3A_252 = arith.subi %sign3A_248, %sign3A_251 : i32
          %ne3A_253 = arith.cmpi ne, %sign3A_245, %sign3A_252 : i32
          %rem3A_254 = arith.remsi %scan3A_215, %jit3A_237 : i32
          %ne3A_255 = arith.constant 0 : i32
          %ne3A_256 = arith.cmpi ne, %rem3A_254, %ne3A_255 : i32
          %and3A_257 = arith.andi %ne3A_253, %ne3A_256 : i1
          %sub3A_258 = arith.constant 1 : i32
          %sub3A_259 = arith.subi %div3A_238, %sub3A_258 : i32
          %select_n3A_260 = arith.select %and3A_257, %sub3A_259, %div3A_238 : i32
          %mul3A_261 = arith.constant 1024 : i32
          %mul3A_262 = arith.muli %select_n3A_260, %mul3A_261 : i32
          %mul3A_263 = arith.constant 128 : i32
          %mul3A_264 = vector.broadcast %mul3A_263 : i32 to vector<16xi32>
          %mul3A_265 = arith.muli %sub3A_229, %mul3A_264 : vector<16xi32>
          %add3A_266 = vector.broadcast %mul3A_262 : i32 to vector<16xi32>
          %add3A_267 = arith.addi %add3A_266, %mul3A_265 : vector<16xi32>
          %jit3A_268 = arith.constant 8 : i32
          %eq3A_269 = arith.constant 0 : i32
          %eq3A_270 = arith.cmpi eq, %jit3A_268, %eq3A_269 : i32
          %jit3A_271 = arith.constant 1 : i32
          %select_n3A_272 = arith.select %eq3A_270, %jit3A_271, %jit3A_268 : i32
          %rem3A_273 = arith.remsi %scan3A_215, %select_n3A_272 : i32
          %ne3A_274 = arith.constant 0 : i32
          %ne3A_275 = arith.cmpi ne, %rem3A_273, %ne3A_274 : i32
          %lt3A_276 = arith.constant 0 : i32
          %lt3A_277 = arith.cmpi slt, %rem3A_273, %lt3A_276 : i32
          %lt3A_278 = arith.constant 0 : i32
          %lt3A_279 = arith.cmpi slt, %select_n3A_272, %lt3A_278 : i32
          %ne3A_280 = arith.xori %lt3A_277, %lt3A_279 : i1
          %and3A_281 = arith.andi %ne3A_280, %ne3A_275 : i1
          %add3A_282 = arith.addi %rem3A_273, %select_n3A_272 : i32
          %select_n3A_283 = arith.select %and3A_281, %add3A_282, %rem3A_273 : i32
          %mul3A_284 = arith.constant 16 : i32
          %mul3A_285 = arith.muli %select_n3A_283, %mul3A_284 : i32
          %add3A_286 = vector.broadcast %mul3A_285 : i32 to vector<16xi32>
          %add3A_287 = arith.addi %add3A_267, %add3A_286 : vector<16xi32>
          %iota3A = tpu.iota {dimensions = array<i32: 0>} : vector<16xi32>
          %add3A_288 = arith.addi %add3A_287, %iota3A : vector<16xi32>
          %jit3A_289 = arith.constant 0 : i32
          %broadcast_in_dim3A_290 = vector.broadcast %jit3A_289 : i32 to vector<16xi32>
          %select_n3A_291 = arith.select %and3A_236, %add3A_288, %broadcast_in_dim3A_290 : vector<16xi1>, vector<16xi32>
          %broadcast_in_dim3A_292 = arith.constant 0.000000e+00 : f32
          %broadcast_in_dim3A_293 = vector.broadcast %broadcast_in_dim3A_292 : f32 to vector<16xf32>
          tpu.vector_store_idx %arg6[%select_n3A_291], %broadcast_in_dim3A_293 masked %and3A_236 : memref<32768xf32, #tpu.memory_space<vmem>>[vector<16xi32>], vector<16xf32>, vector<16xi1>
        }
        %scan3A_214 = arith.constant 256 : i32
      } else {
      }
      %convert_element_type3A_179 = arith.extui %lt3A_171 : i1 to i32
      %cond3A_180 = arith.constant 0 : i32
      %cond3A_181 = arith.cmpi ne, %convert_element_type3A_179, %cond3A_180 : i32
      scf.if %cond3A_181 {
        %ge3A_182 = arith.cmpi sge, %add3A_170, %mul3A_100 : i32
        %jit3A_183 = arith.constant 4096 : i32
        %jit3A_184 = arith.constant 0 : i32
        %select_n3A_185 = arith.select %ge3A_182, %jit3A_183, %jit3A_184 : i32
        %jit3A_186 = arith.constant 125 : i32
        %eq3A = arith.constant 0 : i32
        %eq3A_187 = arith.cmpi eq, %jit3A_186, %eq3A : i32
        %jit3A_188 = arith.constant 1 : i32
        %select_n3A_189 = arith.select %eq3A_187, %jit3A_188, %jit3A_186 : i32
        %rem3A_190 = arith.remsi %add3A_170, %select_n3A_189 : i32
        %ne3A_191 = arith.constant 0 : i32
        %ne3A_192 = arith.cmpi ne, %rem3A_190, %ne3A_191 : i32
        %lt3A_193 = arith.constant 0 : i32
        %lt3A_194 = arith.cmpi slt, %rem3A_190, %lt3A_193 : i32
        %lt3A_195 = arith.constant 0 : i32
        %lt3A_196 = arith.cmpi slt, %select_n3A_189, %lt3A_195 : i32
        %ne3A_197 = arith.xori %lt3A_194, %lt3A_196 : i1
        %and3A_198 = arith.andi %ne3A_197, %ne3A_192 : i1
        %add3A_199 = arith.addi %rem3A_190, %select_n3A_189 : i32
        %select_n3A_200 = arith.select %and3A_198, %add3A_199, %rem3A_190 : i32
        %mul3A_201 = arith.constant 8 : i32
        %mul3A_202 = arith.muli %select_n3A_200, %mul3A_201 : i32
        %scan3A_203 = arith.constant 0 : i32
        %scan3A_204 = arith.constant 0 : i32
        %scan3A_205 = arith.constant 256 : i32
        %scan3A_206 = arith.addi %scan3A_204, %scan3A_205 : i32
        %scan3A_207 = arith.constant 1 : i32
        scf.for %scan3A_212 = %scan3A_204 to %scan3A_206 step %scan3A_207  : i32 {
          %mul3A_213 = arith.constant 16 : i32
          %mul3A_214 = arith.muli %scan3A_212, %mul3A_213 : i32
          %add3A_215 = arith.addi %select_n3A_185, %mul3A_214 : i32
          %get3A = arith.index_cast %add3A_215 : i32 to index
          %get3A_216 = tpu.vector_load %arg4[%get3A] {strides = array<i32>} : memref<8192xi32, #tpu.memory_space<vmem>>, vector<16xi32>,
          %eq3A_217 = arith.constant 0 : i32
          %eq3A_218 = vector.broadcast %eq3A_217 : i32 to vector<16xi32>
          %eq3A_219 = arith.cmpi eq, %get3A_216, %eq3A_218 : vector<16xi32>
          %sub3A_220 = arith.constant 1 : i32
          %sub3A_221 = vector.broadcast %sub3A_220 : i32 to vector<16xi32>
          %sub3A_222 = arith.subi %get3A_216, %sub3A_221 : vector<16xi32>
          %jit3A_223 = arith.constant 0 : i32
          %broadcast_in_dim3A = vector.broadcast %jit3A_223 : i32 to vector<16xi32>
          %select_n3A_224 = arith.select %eq3A_219, %broadcast_in_dim3A, %sub3A_222 : vector<16xi1>, vector<16xi32>
          %sub3A_225 = vector.broadcast %mul3A_202 : i32 to vector<16xi32>
          %sub3A_226 = arith.subi %select_n3A_224, %sub3A_225 : vector<16xi32>
          %ge3A_227 = arith.constant 0 : i32
          %ge3A_228 = vector.broadcast %ge3A_227 : i32 to vector<16xi32>
          %ge3A_229 = arith.cmpi sge, %sub3A_226, %ge3A_228 : vector<16xi32>
          %lt3A_230 = arith.constant 8 : i32
          %lt3A_231 = vector.broadcast %lt3A_230 : i32 to vector<16xi32>
          %lt3A_232 = arith.cmpi slt, %sub3A_226, %lt3A_231 : vector<16xi32>
          %and3A_233 = arith.andi %ge3A_229, %lt3A_232 : vector<16xi1>
          %jit3A_234 = arith.constant 8 : i32
          %div3A_235 = arith.divsi %scan3A_212, %jit3A_234 : i32
          %sign3A_236 = arith.constant 0 : i32
          %sign3A_237 = arith.cmpi sgt, %scan3A_212, %sign3A_236 : i32
          %sign3A_238 = arith.extui %sign3A_237 : i1 to i32
          %sign3A_239 = arith.constant 0 : i32
          %sign3A_240 = arith.cmpi slt, %scan3A_212, %sign3A_239 : i32
          %sign3A_241 = arith.extui %sign3A_240 : i1 to i32
          %sign3A_242 = arith.subi %sign3A_238, %sign3A_241 : i32
          %sign3A_243 = arith.constant 0 : i32
          %sign3A_244 = arith.cmpi sgt, %jit3A_234, %sign3A_243 : i32
          %sign3A_245 = arith.extui %sign3A_244 : i1 to i32
          %sign3A_246 = arith.constant 0 : i32
          %sign3A_247 = arith.cmpi slt, %jit3A_234, %sign3A_246 : i32
          %sign3A_248 = arith.extui %sign3A_247 : i1 to i32
          %sign3A_249 = arith.subi %sign3A_245, %sign3A_248 : i32
          %ne3A_250 = arith.cmpi ne, %sign3A_242, %sign3A_249 : i32
          %rem3A_251 = arith.remsi %scan3A_212, %jit3A_234 : i32
          %ne3A_252 = arith.constant 0 : i32
          %ne3A_253 = arith.cmpi ne, %rem3A_251, %ne3A_252 : i32
          %and3A_254 = arith.andi %ne3A_250, %ne3A_253 : i1
          %sub3A_255 = arith.constant 1 : i32
          %sub3A_256 = arith.subi %div3A_235, %sub3A_255 : i32
          %select_n3A_257 = arith.select %and3A_254, %sub3A_256, %div3A_235 : i32
          %mul3A_258 = arith.constant 1024 : i32
          %mul3A_259 = arith.muli %select_n3A_257, %mul3A_258 : i32
          %mul3A_260 = arith.constant 128 : i32
          %mul3A_261 = vector.broadcast %mul3A_260 : i32 to vector<16xi32>
          %mul3A_262 = arith.muli %sub3A_226, %mul3A_261 : vector<16xi32>
          %add3A_263 = vector.broadcast %mul3A_259 : i32 to vector<16xi32>
          %add3A_264 = arith.addi %add3A_263, %mul3A_262 : vector<16xi32>
          %jit3A_265 = arith.constant 8 : i32
          %eq3A_266 = arith.constant 0 : i32
          %eq3A_267 = arith.cmpi eq, %jit3A_265, %eq3A_266 : i32
          %jit3A_268 = arith.constant 1 : i32
          %select_n3A_269 = arith.select %eq3A_267, %jit3A_268, %jit3A_265 : i32
          %rem3A_270 = arith.remsi %scan3A_212, %select_n3A_269 : i32
          %ne3A_271 = arith.constant 0 : i32
          %ne3A_272 = arith.cmpi ne, %rem3A_270, %ne3A_271 : i32
          %lt3A_273 = arith.constant 0 : i32
          %lt3A_274 = arith.cmpi slt, %rem3A_270, %lt3A_273 : i32
          %lt3A_275 = arith.constant 0 : i32
          %lt3A_276 = arith.cmpi slt, %select_n3A_269, %lt3A_275 : i32
          %ne3A_277 = arith.xori %lt3A_274, %lt3A_276 : i1
          %and3A_278 = arith.andi %ne3A_277, %ne3A_272 : i1
          %add3A_279 = arith.addi %rem3A_270, %select_n3A_269 : i32
          %select_n3A_280 = arith.select %and3A_278, %add3A_279, %rem3A_270 : i32
          %mul3A_281 = arith.constant 16 : i32
          %mul3A_282 = arith.muli %select_n3A_280, %mul3A_281 : i32
          %add3A_283 = vector.broadcast %mul3A_282 : i32 to vector<16xi32>
          %add3A_284 = arith.addi %add3A_264, %add3A_283 : vector<16xi32>
          %iota3A = tpu.iota {dimensions = array<i32: 0>} : vector<16xi32>
          %add3A_285 = arith.addi %add3A_284, %iota3A : vector<16xi32>
          %jit3A_286 = arith.constant 0 : i32
          %broadcast_in_dim3A_287 = vector.broadcast %jit3A_286 : i32 to vector<16xi32>
          %select_n3A_288 = arith.select %and3A_233, %add3A_285, %broadcast_in_dim3A_287 : vector<16xi1>, vector<16xi32>
          %broadcast_in_dim3A_289 = arith.constant -1.000000e+00 : f32
          %broadcast_in_dim3A_290 = vector.broadcast %broadcast_in_dim3A_289 : f32 to vector<16xf32>
          tpu.vector_store_idx %arg6[%select_n3A_288], %broadcast_in_dim3A_290 masked %and3A_233 : memref<32768xf32, #tpu.memory_space<vmem>>[vector<16xi32>], vector<16xf32>, vector<16xi1>
        }
        %scan3A_208 = arith.constant 256 : i32
        %mul3A_209 = arith.constant 32768 : i32
        %mul3A_210 = arith.muli %add3A_170, %mul3A_209 : i32
        %dma_start3A = tpu.memref_slice %arg3[%mul3A_210] : memref<106496000xf32, #tpu.memory_space<hbm>> -> memref<32768xf32, #tpu.memory_space<hbm>>
        %dma_start3A_211 = tpu.memref_slice %arg3[%mul3A_210] : memref<106496000xf32, #tpu.memory_space<hbm>> -> memref<32768xf32, #tpu.memory_space<hbm>>
        tpu.enqueue_dma source(%arg6 : memref<32768xf32, #tpu.memory_space<vmem>>) target(%dma_start3A_211 : memref<32768xf32, #tpu.memory_space<hbm>>) target_semaphore(%arg8 : memref<!tpu.dma_semaphore, #tpu.memory_space<semaphore_mem>>)
      } else {
      }
    }
    %dma_wait3A = arith.constant 0 : i32
    %dma_wait3A_146 = tpu.memref_slice %arg3[%dma_wait3A] : memref<106496000xf32, #tpu.memory_space<hbm>> -> memref<32768xf32, #tpu.memory_space<hbm>>
    %dma_wait3A_147 = arith.constant 0 : i32
    %dma_wait3A_148 = tpu.memref_slice %arg3[%dma_wait3A_147] : memref<106496000xf32, #tpu.memory_space<hbm>> -> memref<32768xf32, #tpu.memory_space<hbm>>
    tpu.wait_dma2 semaphore(%arg7 : memref<!tpu.dma_semaphore, #tpu.memory_space<semaphore_mem>>) src(%dma_wait3A_148 : memref<32768xf32, #tpu.memory_space<hbm>>) dst(%arg5 : memref<32768xf32, #tpu.memory_space<vmem>>)
    %dma_wait3A_149 = arith.constant 0 : i32
    %dma_wait3A_150 = tpu.memref_slice %arg3[%dma_wait3A_149] : memref<106496000xf32, #tpu.memory_space<hbm>> -> memref<32768xf32, #tpu.memory_space<hbm>>
    %dma_wait3A_151 = arith.constant 0 : i32
    %dma_wait3A_152 = tpu.memref_slice %arg3[%dma_wait3A_151] : memref<106496000xf32, #tpu.memory_space<hbm>> -> memref<32768xf32, #tpu.memory_space<hbm>>
    tpu.wait_dma2 semaphore(%arg8 : memref<!tpu.dma_semaphore, #tpu.memory_space<semaphore_mem>>) src(%dma_wait3A_152 : memref<32768xf32, #tpu.memory_space<hbm>>) dst(%arg6 : memref<32768xf32, #tpu.memory_space<vmem>>)
    return
  }
}

</mosaic_0001>

<sc_bundles>
// kernel: kernel.3.cloned.1.call-start
scs
__scs_entry_jumppad:
0x0: {  	(pc) =	sbr.rel $0x88, $3  }
0x1: {  	(tag) =	ssettag $0x0;
	lr =	simm.s32 $0x1  }
0x2: {  	[smem:$0x3FA0] =	sst lr;
	_ =	strace $0xD0000000  }
0x3: {  	_ = 	snop  }
0x4: {  	_ = 	snop  }
0x5: {  	_ = 	snop  }
0x6: {  	_ = 	snop  }
0x7: {  	_ = 	snop  }
__scs_overlays_trampoline_lowered:
0x8: {  	[smem:$0x3FAF] =	sst s0  }
0x9: {  	[smem:$0x3FB0] =	sst s1  }
0xa: {  	[smem:$0x3FB1] =	sst s2  }
0xb: {  	[smem:$0x3FB2] =	sst s3  }
0xc: {  	[smem:$0x3FB3] =	sst s4  }
0xd: {  	[smem:$0x3FB4] =	sst s5  }
0xe: {  	[smem:$0x3FB5] =	sst s6  }
0xf: {  	[smem:$0x3FB6] =	sst s7  }
0x10: {  	[smem:$0x3FB7] =	sst s8  }
0x11: {  	[smem:$0x3FB8] =	sst s9;
	s0 =	simm.s32 @!p0 $0x0  }
0x12: {  	s1 =	sld [smem:$0x3F9E];
	s0 =	simm.s32 @p0 $0x1  }
0x13: {  	[smem:$0x3FB9] =	sst s0;
	s0 =	simm.s32 @!p1 $0x0  }
0x14: {  	s2 =	sld [smem:$0x3F9D];
	s0 =	simm.s32 @p1 $0x1  }
0x15: {  	[smem:$0x3FBA] =	sst s0;
	s0 =	simm.s32 @!p2 $0x0  }
0x16: {  	s3 =	sld [smem:$0x3FDB];
	s0 =	simm.s32 @p2 $0x1  }
0x17: {  	s4 =	simm.s32 $0x1BF5;
	[smem:$0x3FBC] =	sst s0  }
0x18: {  	s0 =	sld [smem:$0x3F9F];
	_ =	swait.ge [sflag:s4], $0x0  }
0x19: {  	s7 =	sld [smem:$0x3FA0]  }
0x1a: {  	s8 =	sadd.s32 $0xFFFFE003, lr  }
0x1b: {  	s9 =	sadd.s32 $0xFFFFFEF7, lr;
	s5 =	simm.s32 $0xFFFFFFFF;
	p2 =	slt.u32 s8, $0xFFFFF086  }
0x1c: {  	p1 =	slt.u32 s9, $0xF7A;
	s5 =	simm.s32 @!p2 $0x0  }
0x1d: {  	s5 =	simm.s32 @p1 $0x1;
	p0 =	seq.s32 s7, s2  }
0x1e: {  	s7 =	smul.u32 @!p0 $0xF7A, s2;
	p2 =	seq.s32 @!p0 s5, $0x0  }
0x1f: {  	s9 =	smul.u32 $0xF7A, s1;
	s8 =	simm.s32 @!p0 $0x1BF5;
	p2 =	por !p2, p0  }
0x20: {  	[sflag:s8] =	ssyncset.s32 @!p0 $0xFFFFF086;
	s6 =	sadd.s32 @!p0 s3, s7;
	s7 =	simm.s32 @!p0 $0x108  }
0x21: {  	s3 =	sadd.s32 s3, s9;
	s6 =	sadd.s32 @!p0 $0x88, s6;
	s7 =	simm.s32 @p2 $0x1082  }
0x22: {  	[simem:s7], [sflag:s8] =	dma.local @!p0 [hbm:s6], $0xF7A  }
0x23: {  	s9 =	sor.u32 $0xD0000000, s2;
	s6 =	simm.s32 $0x108;
	_ =	swait.ge @!p0 [sflag:s8], $0x0  }
0x24: {  	s3 =	sadd.s32 $0x88, s3;
	s6 =	simm.s32 @!p1 $0x1082;
	[sflag:s4] =	ssyncset.s32 $0xFFFFF086  }
0x25: {  	[simem:s6], [sflag:s4] =	dma.local [hbm:s3], $0xF7A  }
0x26: {  	[smem:$0x3FA0] =	sst s1;
	(tag) =	ssettag s2;
	_ =	strace s9  }
0x27: {  	s1 =	sld [smem:$0x3FB0]  }
0x28: {  	s2 =	sld [smem:$0x3FB1]  }
0x29: {  	s4 =	sld [smem:$0x3FB3]  }
0x2a: {  	p0 =	seq.s32 s5, $0x0;
	s5 =	sld [smem:$0x3FB4]  }
0x2b: {  	s6 =	sld [smem:$0x3FB5]  }
0x2c: {  	s7 =	sld [smem:$0x3FB6]  }
0x2d: {  	s3 =	simm.s32 $0x108;
	s8 =	sld [smem:$0x3FB7]  }
0x2e: {  	s3 =	simm.s32 @!p0 $0x1082;
	s9 =	sld [smem:$0x3FB8]  }
0x2f: {  	lr =	sadd.s32 s0, s3;
	s0 =	sld [smem:$0x3FAF]  }
0x30: {  	s3 =	sld [smem:$0x3FB2]  }
0x31: {  	[smem:$0x3FBB] =	sst s10  }
0x32: {  	s10 =	sld [smem:$0x3FB9];
	_ =	sdelay $0x3  }
0x33: {  	p0 =	seq.s32 s10, $0x1;
	s10 =	sld [smem:$0x3FBB];
	_ =	sdelay $0x3  }
0x34: {  	[smem:$0x3FBB] =	sst s10  }
0x35: {  	s10 =	sld [smem:$0x3FBA];
	_ =	sdelay $0x3  }
0x36: {  	p1 =	seq.s32 s10, $0x1;
	s10 =	sld [smem:$0x3FBB];
	_ =	sdelay $0x3  }
0x37: {  	[smem:$0x3FBB] =	sst s10  }
0x38: {  	s10 =	sld [smem:$0x3FBC]  }
0x39: {  	_ = 	snop;
	(pc) =	sbr.ind lr, $3  }
0x3a: {  	_ = 	snop  }
0x3b: {  	_ = 	snop  }
0x3c: {  	p2 =	seq.s32 s10, $0x1;
	s10 =	sld [smem:$0x3FBB]  }
0x3d: {  	_ =	shalt  }
0x3e: {  	_ =	shalt  }
0x3f: {  	_ =	shalt  }
0x40: {  	_ =	shalt  }
0x41: {  	_ =	shalt  }
0x42: {  	_ =	shalt  }
0x43: {  	_ =	shalt  }
0x44: {  	_ =	shalt  }
0x45: {  	_ =	shalt  }
0x46: {  	_ =	shalt  }
0x47: {  	_ =	shalt  }
0x48: {  	_ =	shalt  }
0x49: {  	_ =	shalt  }
0x4a: {  	_ =	shalt  }
0x4b: {  	_ =	shalt  }
0x4c: {  	_ =	shalt  }
0x4d: {  	_ =	shalt  }
0x4e: {  	_ =	shalt  }
0x4f: {  	_ =	shalt  }
0x50: {  	_ =	shalt  }
0x51: {  	_ =	shalt  }
0x52: {  	_ =	shalt  }
0x53: {  	_ =	shalt  }
0x54: {  	_ =	shalt  }
0x55: {  	_ =	shalt  }
0x56: {  	_ =	shalt  }
0x57: {  	_ =	shalt  }
0x58: {  	_ =	shalt  }
0x59: {  	_ =	shalt  }
0x5a: {  	_ =	shalt  }
0x5b: {  	_ =	shalt  }
0x5c: {  	_ =	shalt  }
0x5d: {  	_ =	shalt  }
0x5e: {  	_ =	shalt  }
0x5f: {  	_ =	shalt  }
0x60: {  	_ =	shalt  }
0x61: {  	_ =	shalt  }
0x62: {  	_ =	shalt  }
0x63: {  	_ =	shalt  }
0x64: {  	_ =	shalt  }
0x65: {  	_ =	shalt  }
0x66: {  	_ =	shalt  }
0x67: {  	_ =	shalt  }
0x68: {  	_ =	shalt  }
0x69: {  	_ =	shalt  }
0x6a: {  	_ =	shalt  }
0x6b: {  	_ =	shalt  }
0x6c: {  	_ =	shalt  }
0x6d: {  	_ =	shalt  }
0x6e: {  	_ =	shalt  }
0x6f: {  	_ =	shalt  }
0x70: {  	_ =	shalt  }
0x71: {  	_ =	shalt  }
0x72: {  	_ =	shalt  }
0x73: {  	_ =	shalt  }
0x74: {  	_ =	shalt  }
0x75: {  	_ =	shalt  }
0x76: {  	_ =	shalt  }
0x77: {  	_ =	shalt  }
0x78: {  	_ =	shalt  }
0x79: {  	_ =	shalt  }
0x7a: {  	_ =	shalt  }
0x7b: {  	_ =	shalt  }
0x7c: {  	_ =	shalt  }
0x7d: {  	_ =	shalt  }
0x7e: {  	_ =	shalt  }
0x7f: {  	_ =	shalt  }
0x80: {  	_ =	shalt  }
0x81: {  	_ =	shalt  }
0x82: {  	_ =	shalt  }
0x83: {  	_ =	shalt  }
0x84: {  	_ =	shalt  }
0x85: {  	_ =	shalt  }
0x86: {  	_ =	shalt  }
0x87: {  	_ =	shalt  }
.Lfunc_end0:
.L_simem_size_0:
called_computation_lowered:
.L_overlay_start_0:
0x88: {  	s2 =	sld [smem:$0x3FD9]  }
0x89: {  	s3 =	sld [smem:$0x3FFE];
	_ =	sdelay $0x1  }
0x8a: {  	s1 =	srdreg.scid  }
0x8b: {  	s0 =	sand.u32 $0x1, s1  }
0x8c: {  	s17 =	sshll.u32 s0, $0xA;
	s2 =	sadd.s32 s3, s2  }
0x8d: {  	s2 =	sadd.s32 s2, s17  }
0x8e: {  	[smem:$0x3FC7] =	sst s2  }
0x8f: {  	_ = 	snop  }
0x90: {  	s2 =	sld [smem:$0x3FD0];
	(tm) =	ssettm $0x1  }
0x91: {  	s18 =	sld [smem:$0x3FFB];
	_ =	sdelay $0x3  }
0x92: {  	_ =	strace s18  }
0x93: {  	s3 =	sld [smem:$0x3FFC];
	_ =	sdelay $0x3  }
0x94: {  	_ =	strace s3  }
0x95: {  	s3 =	sld [smem:$0x3FFD];
	_ =	sdelay $0x3  }
0x96: {  	_ =	strace s3  }
0x97: {  	_ =	strace $0x8FFFFFFF  }
0x98: {  	s19 =	sld [smem:$0x3FDB];
	_ =	sdelay $0x1  }
0x99: {  	s4 =	simm.s32 $_scs_section_size  }
0x9a: {  	s5 =	simm.s32 $_size__tile_overlayer_lowered;
	s6 =	simm.s32 $_tile_overlayer_lowered  }
0x9b: {  	s22 =	simm.s32 $0x1BFF;
	s21 =	sshll.u32 s6, $0x1;
	s3 =	sadd.s32 s4, s19  }
0x9c: {  	s7 =	simm.s32 $0x0;
	s20 =	sshll.u32 s5, $0x1;
	s5 =	sadd.s32 s21, s3  }
0x9d: {  	[timem:s7], [sflag:s22] =	dma.local [hbm:s5], s20  }
0x9e: {  	_ =	swait.ge [sflag:s22], s20  }
0x9f: {  	s4 =	ssub.s32 $0x0, s20;
	[sflag:s22] =	ssyncset.done $0x0  }
0xa0: {  	[sflag:s22] =	ssyncadd.s32 s4;
	_ =	sdelay $0x1  }
0xa1: {  	s23 =	simm.s32 $0x1B8B  }
0xa2: {  	_ =	swait.ge [sflag:s23], $0x1  }
0xa3: {  	[sflag:s23] =	ssyncset.done $0x0  }
0xa4: {  	s25 =	simm.s32 $0x1B8E;
	s24 =	sld [smem:$0x3FFE];
	[sflag:s23] =	ssyncadd.s32 $0xFFFFFFFF  }
0xa5: {  	s26 =	simm.s32 $execute0_lowered;
	[smem:$0x3FD2] =	sst s25  }
0xa6: {  	s5 =	sshll.u32 s26, $0x1;
	_ =	strace $0x80000046;
	[dreg:$0x1] =	wrdreg $0xFFFFFFFF  }
0xa7: {  	s28 =	simm.s32 $_size_execute0_lowered;
	s3 =	sadd.s32 s3, s5;
	[dreg:$0x0] =	wrdreg $0x0  }
0xa8: {  	s5 =	sshll.u32 s28, $0x1;
	[dreg:$0x2] =	wrdreg s3  }
0xa9: {  	[dreg:$0x3] =	wrdreg s5  }
0xaa: {  	[dreg:$0x4] =	wrdreg $0xC0  }
0xab: {  	_ =	task [dreg:s7], $0x5FFFF  }
0xac: {  	[dreg:$0x1] =	wrdreg $0xFFFFFFFF  }
0xad: {  	[dreg:$0x0] =	wrdreg $0x60  }
0xae: {  	[dreg:$0x2] =	wrdreg s24  }
0xaf: {  	[dreg:$0x3] =	wrdreg s2  }
0xb0: {  	[dreg:$0x4] =	wrdreg $0x9  }
0xb1: {  	_ =	task.clear_ibuf [dreg:s7], $0x5FFFF;
	_ =	strace $0x90000046  }
0xb2: {  	s29 =	simm.s32 $0x9;
	_ =	strace $0x80000048  }
0xb3: {  	_ =	swait.ge [sflag:s29], $0x1  }
0xb4: {  	[sflag:s29] =	ssyncadd.s32 $0xFFFFFFFF  }
0xb5: {  	_ =	strace $0x90000048  }
0xb6: {  	_ =	sfence  }
0xb7: {  	s30 =	sld [smem:$0x0];
	_ =	sdelay $0x2  }
0xb8: {  	s31 =	sshll.u32 s1, $0xD;
	s1 =	sshrl.u32 s1, $0x2  }
0xb9: {  	s3 =	sand.u32 $0x4000, s31;
	s1 =	sadd.s32 s1, s30  }
0xba: {  	s0 =	sor.u32 s3, s0;
	s1 =	sshll.u32 s1, $0x11  }
0xbb: {  	s0 =	sor.u32 s1, s0  }
0xbc: {  	s0 =	sadd.s32 $0x8F2B, s0  }
0xbd: {  	[sflag:s0] =	ssyncadd.remote.s32 $0x1  }
0xbe: {  	_ =	sfence.sel $0xFFFF  }
0xbf: {  	[dreg:$0x0] =	wrdreg $0xFFFFFFFF;
	(pc) =	sbr.abs _section_cstart, $3  }
0xc0: {  	[dreg:$0x1] =	wrdreg $0xFFFFFFFF  }
0xc1: {  	_ =	task.clear_ibuf [dreg:s7], $0x2FFFF;
	_ =	strace $0x9FFFFFFF  }
0xc2: {  	(tm) =	ssettm $0x7FFFFFFF  }
0xc3: {  	_ =	shalt  }
tec
execute0_lowered:
.L_overlay_start_1:
0x0: {  	(tag) =	ssettag $0x1  }
0x1: {  	s1 =	srdreg.scid;
	s0 =	stileid.u32  }
0x2: {  	s5 =	sand.u32 $0x1, s1;
	s24 =	sshll.u32 s0, $0x1  }
0x3: {  	s1 =	sor.u32 s5, s24  }
0x4: {  	s8 =	rddreg [dreg:$0x0];
	s6 =	smul.u32 $0xCB2, s1  }
0x5: {  	s3 =	rddreg [dreg:$0x1];
	s4 =	simm.s32 $0x0  }
0x6: {  	s15 =	simm.s32 $0x2;
	s16 =	simm.s32 $0xA000;
	s1 =	sadd.s32 $0xCB2, s6  }
0x7: {  	s17 =	simm.s32 $0x0;
	[smem:$0x7FF] =	sst s4;
	s2 =	sshrl.u32 s1, $0x5  }
0x8: {  	s8 =	sadd.s32 $0x400, s8;
	s5 =	ssub.s32 $0x2, s5;
	s7 =	sadd.s32 $0xFFFFFFFF, s2  }
0x9: {  	s11 =	sshrl.u32 s5, $0x1;
	s10 =	smulhi.u32 $0x10624E, s6;
	s25 =	sand.u32 $0xFFFF, s7  }
0xa: {  	s11 =	ssub.s32 s5, s11;
	s5 =	sshrl.u32 s6, $0x5;
	s9 =	smul.u32 $0x625, s25  }
0xb: {  	s11 =	smax.u32 s11, $0x1;
	s1 =	rddreg [dreg:$0x2];
	_ =	strace $0x80000047  }
0xc: {  	s12 =	smul.u32 $0x7D, s10;
	s26 =	sshll.u32 s10, $0x9;
	s9 =	sshrl.u32 s9, $0x10  }
0xd: {  	s28 =	ssub.s32 s2, s5;
	s10 =	simm.s32 $0x1;
	s7 =	ssub.s32 s7, s9  }
0xe: {  	s29 =	sadd.s32 $0x1, s28;
	p0 =	slt.s32 s28, $0x0;
	s7 =	sand.u32 $0xFFFE, s7  }
0xf: {  	s13 =	sand.u32 $0x8000, s29;
	s14 =	sand.u32 $0x1, s29;
	s7 =	sshrl.u32 s7, $0x1  }
0x10: {  	s13 =	sshrl.u32 s13, $0xF;
	p1 =	seq.s32 s14, $0x1;
	s9 =	sadd.s32 s9, s7  }
0x11: {  	s30 =	sadd.s32 s13, s29;
	p0 =	por !p0, !p1;
	s9 =	sshll.u32 s9, $0x3  }
.Ltmp0:
0x12: {  	p0 =	por !p0, !p0;
	s9 =	sand.u32 $0x7FE00, s9;
	(pc) =	sbr.rel .LBB2_1-.Ltmp0, $4  }
0x13: {  	s7 =	sadd.s32 s8, s26;
	s8 =	sadd.s32 s8, s9;
	s9 =	sshll.u32 s30, $0x10  }
0x14: {  	s6 =	sadd.s32 $0x7D, s12;
	s10 =	simm.s32 @!p0 $0x0;
	s31 =	sshra.s32 s9, $0x11  }
0x15: {  	v0 =	vimm.f32 $0.0e+00;
	s12 =	simm.s32 $0x3;
	s14 =	simm.s32 $0x2000;
	s10 =	ssub.s32 s31, s10  }
0x16: {  	v1 =	vimm.s32 $0x1;
	v2 =	vlaneseq.u32;
	v3 =	vimm.f32 $-1.000000000e+00;
	s13 =	simm.s32 $0x1000;
	s9 =	simm.s32 $0x1;
	p0 =	slt.s32 s10, $0x1  }
.LBB2_21:
0x17: {  	s17 =	sadd.s32 $0x1, s17  }
0x18: {  	_ =	swait.ge [sflag:s9], $0x8000;
	p1 =	sne.s32 s17, s11  }
.Ltmp1:
0x19: {  	[sflag:s9] =	ssyncset.done $0x0;
	(pc) =	sbr.rel @!p1 .LBB2_22-.Ltmp1, $4  }
0x1a: {  	[sflag:s9] =	ssyncadd.s32 $0xFFFF8000  }
0x1b: {  	_ =	swait.ge [sflag:s15], $0x8000  }
0x1c: {  	[sflag:s15] =	ssyncset.done $0x0  }
0x1d: {  	[sflag:s15] =	ssyncadd.s32 $0xFFFF8000  }
.LBB2_1:
0x1e: {  	[tilespmem:s4], [sflag:$0x3] =	stream.linear.gather [hbm4b:s7+s4], $0x1000, $0x38;
	[tilespmem:$0x12000] =	vst v63  }
0x1f: {  	_ =	swait.ge [sflag:s12], $0x1000  }
0x20: {  	[sflag:s12] =	ssyncset.done $0x0  }
0x21: {  	[sflag:s12] =	ssyncadd.s32 $0xFFFFF000  }
0x22: {  	[tilespmem:s13], [sflag:$0x3] =	stream.linear.gather [hbm4b:s8+s4], $0x1000, $0x38;
	[tilespmem:$0x12000] =	vst v63  }
0x23: {  	_ =	swait.ge [sflag:s12], $0x1000  }
0x24: {  	[sflag:s12] =	ssyncset.done $0x0  }
0x25: {  	s18 =	simm.s32 $0x40;
	s19 =	simm.s32 $0x0;
	[sflag:s12] =	ssyncadd.s32 $0xFFFFF000  }
.LBB2_2:
0x26: {  	p1 =	sne.s32 s18, $0x1FFC0;
	[tilespmem:s19+$0x2000] =	vst v0;
	s20 =	smov.u32 s18;
	s18 =	sadd.s32 $0x40, s18  }
.Ltmp2:
0x27: {  	[tilespmem:s19+$0xA000] =	vst v0;
	(pc) =	sbr.rel @p1 .LBB2_2-.Ltmp2, $2  }
0x28: {  	_ =	sdelay $0x2  }
0x29: {  	s19 =	sshra.s32 s20, $0x2  }
.Ltmp3:
0x2a: {  	(pc) =	sbr.rel @!p0 .LBB2_4-.Ltmp3, $4  }
.Ltmp4:
0x2b: {  	(pc) =	sbr.rel @p0 .LBB2_21-.Ltmp4, $4  }
0x2c: {  	_ = 	snop  }
0x2d: {  	[tilespmem:s19+$0x2000] =	vst v0  }
0x2e: {  	[tilespmem:s19+$0xA000] =	vst v0;
	s18 =	simm.s32 $0x0  }
0x2f: {  	_ = 	snop  }
.LBB2_20:
0x30: {  	s18 =	sadd.s32 $0x1, s18  }
0x31: {  	p1 =	slt.s32 s18, s10  }
.Ltmp5:
0x32: {  	_ = 	snop;
	(pc) =	sbr.rel @!p1 .LBB2_21-.Ltmp5, $1  }
0x33: {  	_ =	sdelay $0x3  }
.LBB2_4:
0x34: {  	s19 =	sshll.u32 s18, $0x1  }
0x35: {  	p1 =	seq.s32 s18, $0x0;
	s19 =	sadd.s32 s5, s19  }
0x36: {  	p2 =	sge.u32 @!p1 s19, s2  }
0x37: {  	p1 =	por p1, p2  }
.Ltmp6:
0x38: {  	_ = 	snop;
	(pc) =	sbr.rel @p1 .LBB2_8-.Ltmp6, $1  }
0x39: {  	_ =	sdelay $0x3  }
0x3a: {  	s20 =	sadd.s32 $0xFFFFFFFE, s19  }
0x3b: {  	s21 =	smulhi.u32 $0x10624DD3, s20;
	s22 =	sshra.s32 s20, $0x1F  }
0x3c: {  	s22 =	smul.u32 $0x10624DD3, s22  }
0x3d: {  	_ =	swait.ge [sflag:s9], $0x8000  }
0x3e: {  	[sflag:s9] =	ssyncset.done $0x0;
	p1 =	slt.s32 s20, s6;
	s21 =	sadd.s32 s22, s21  }
0x3f: {  	s22 =	simm.s32 $0x0;
	s23 =	sshrl.u32 s21, $0x1F;
	s21 =	sshra.s32 s21, $0x3  }
0x40: {  	[sflag:s9] =	ssyncadd.s32 $0xFFFF8000;
	s22 =	simm.s32 @!p1 $0x1000;
	s21 =	sadd.s32 s23, s21  }
0x41: {  	v4 =	vld [tilespmem:s22+$0x0];
	s21 =	smul.u32 $0x7D, s21;
	_ =	sdelay $0x1  }
0x42: {  	s20 =	ssub.s32 s20, s21  }
0x43: {  	s21 =	sshll.u32 s20, $0x3  }
0x44: {  	p1 =	slt.s32 s20, $0x0;
	s20 =	sadd.s32 $0x3E8, s21  }
0x45: {  	v5 =	vmax.u32 v4, $0x1;
	s21 =	smov.u32 @p1 s20  }
0x46: {  	s20 =	simm.s32 $0x0;
	v5 =	vsub.s32 v5, v1;
	v4 =	vmov s21  }
0x47: {  	s30 =	sand.u32 $0x7C00, s20;
	s31 =	sand.u32 $0x70, s20;
	v5 =	vsub.s32 v5, v4  }
0x48: {  	s21 =	sor.u32 s30, s31;
	v6 =	vshll.u32 v5, $0x7  }
0x49: {  	v6 =	vadd.s32 s21, v6  }
0x4a: {  	vm0 =	vlt.u32 v5, $0x8;
	v5 =	vor.u32 v2, v6  }
0x4b: {  	v5 =	vnsel vm0, $0x0, v5;
	_ =	sdelay $0x4  }
0x4c: {  	s22 =	sadd.s32 $0x10, s22;
	[tilespmem:v5+s14+$0x0] =	vst.idx.msk vm0, v0  }
0x4d: {  	s23 =	simm.s32 $0x20;
	s21 =	simm.s32 $0x10;
	v5 =	vld [tilespmem:s22+$0x0]  }
.LBB2_6:
0x4e: {  	p1 =	sne.s32 s23, $0xFF0;
	_ =	sdelay $0x3  }
0x4f: {  	v5 =	vmax.u32 v5, $0x1  }
0x50: {  	s20 =	sadd.s32 $0x80, s20;
	v5 =	vsub.s32 v5, v1  }
0x51: {  	s25 =	sand.u32 $0x70, s21;
	s21 =	smov.u32 s23;
	s24 =	sand.u32 $0x7C00, s20;
	v5 =	vsub.s32 v5, v4  }
0x52: {  	s24 =	sor.u32 s24, s25;
	v6 =	vshll.u32 v5, $0x7  }
0x53: {  	v6 =	vadd.s32 s24, v6  }
0x54: {  	vm0 =	vlt.u32 v5, $0x8;
	v5 =	vor.u32 v2, v6  }
0x55: {  	v5 =	vnsel vm0, $0x0, v5;
	_ =	sdelay $0x1  }
.Ltmp7:
0x56: {  	(pc) =	sbr.rel @p1 .LBB2_6-.Ltmp7, $3  }
0x57: {  	_ =	sdelay $0x1  }
0x58: {  	s22 =	sadd.s32 $0x10, s22;
	[tilespmem:v5+s14+$0x0] =	vst.idx.msk vm0, v0  }
0x59: {  	s23 =	sadd.s32 $0x10, s23;
	v5 =	vld [tilespmem:s22+$0x0]  }
0x5a: {  	_ =	sdelay $0x3  }
0x5b: {  	v5 =	vmax.u32 v5, $0x1  }
0x5c: {  	s20 =	sadd.s32 $0x80, s20;
	v5 =	vsub.s32 v5, v1  }
0x5d: {  	s21 =	sand.u32 $0x70, s21;
	s20 =	sand.u32 $0x7C00, s20;
	v4 =	vsub.s32 v5, v4  }
0x5e: {  	s20 =	sor.u32 s20, s21;
	v5 =	vshll.u32 v4, $0x7  }
0x5f: {  	v5 =	vadd.s32 s20, v5  }
0x60: {  	vm0 =	vlt.u32 v4, $0x8;
	v4 =	vor.u32 v2, v5  }
0x61: {  	v4 =	vnsel vm0, $0x0, v4;
	_ =	sdelay $0x4  }
0x62: {  	[tilespmem:v4+s14+$0x0] =	vst.idx.msk vm0, v0  }
.LBB2_8:
0x63: {  	p1 =	sge.u32 s19, s2  }
.Ltmp8:
0x64: {  	_ = 	snop;
	(pc) =	sbr.rel @p1 .LBB2_12-.Ltmp8, $1  }
0x65: {  	_ =	sdelay $0x3  }
0x66: {  	p1 =	slt.u32 s19, s6;
	s21 =	simm.s32 $0x0  }
0x67: {  	s20 =	smulhi.u32 $0x10624DD3, s19;
	s21 =	simm.s32 @!p1 $0x1000  }
0x68: {  	v4 =	vld [tilespmem:s21+$0x0]  }
0x69: {  	s20 =	sshrl.u32 s20, $0x3  }
0x6a: {  	s20 =	smul.u32 $0x7D, s20;
	_ =	sdelay $0x1  }
0x6b: {  	s20 =	ssub.s32 s19, s20  }
0x6c: {  	s22 =	sshll.u32 s20, $0x3;
	v5 =	vmax.u32 v4, $0x1  }
0x6d: {  	s20 =	simm.s32 $0x0;
	v4 =	vmov s22;
	v5 =	vsub.s32 v5, v1  }
0x6e: {  	s31 =	sand.u32 $0x7C00, s20;
	s23 =	sand.u32 $0x70, s20;
	v5 =	vsub.s32 v5, v4  }
0x6f: {  	s22 =	sor.u32 s31, s23;
	v6 =	vshll.u32 v5, $0x7  }
0x70: {  	v6 =	vadd.s32 s22, v6  }
0x71: {  	vm0 =	vlt.u32 v5, $0x8;
	v5 =	vor.u32 v2, v6  }
0x72: {  	v5 =	vnsel vm0, $0x0, v5;
	_ =	sdelay $0x4  }
0x73: {  	s22 =	sadd.s32 $0x10, s21;
	[tilespmem:v5+s14+$0x0] =	vst.idx.msk vm0, v3  }
0x74: {  	s23 =	simm.s32 $0x20;
	s21 =	simm.s32 $0x10;
	v5 =	vld [tilespmem:s22+$0x0]  }
.LBB2_10:
0x75: {  	p1 =	sne.s32 s23, $0xFF0;
	_ =	sdelay $0x3  }
0x76: {  	v5 =	vmax.u32 v5, $0x1  }
0x77: {  	s20 =	sadd.s32 $0x80, s20;
	v5 =	vsub.s32 v5, v1  }
0x78: {  	s25 =	sand.u32 $0x70, s21;
	s21 =	smov.u32 s23;
	s24 =	sand.u32 $0x7C00, s20;
	v5 =	vsub.s32 v5, v4  }
0x79: {  	s24 =	sor.u32 s24, s25;
	v6 =	vshll.u32 v5, $0x7  }
0x7a: {  	v6 =	vadd.s32 s24, v6  }
0x7b: {  	vm0 =	vlt.u32 v5, $0x8;
	v5 =	vor.u32 v2, v6  }
0x7c: {  	v5 =	vnsel vm0, $0x0, v5;
	_ =	sdelay $0x1  }
.Ltmp9:
0x7d: {  	(pc) =	sbr.rel @p1 .LBB2_10-.Ltmp9, $3  }
0x7e: {  	_ =	sdelay $0x1  }
0x7f: {  	s22 =	sadd.s32 $0x10, s22;
	[tilespmem:v5+s14+$0x0] =	vst.idx.msk vm0, v3  }
0x80: {  	s23 =	sadd.s32 $0x10, s23;
	v5 =	vld [tilespmem:s22+$0x0]  }
0x81: {  	_ =	sdelay $0x3  }
0x82: {  	v5 =	vmax.u32 v5, $0x1  }
0x83: {  	s20 =	sadd.s32 $0x80, s20;
	v5 =	vsub.s32 v5, v1  }
0x84: {  	s21 =	sand.u32 $0x70, s21;
	s20 =	sand.u32 $0x7C00, s20;
	v4 =	vsub.s32 v5, v4  }
0x85: {  	s20 =	sor.u32 s20, s21;
	v5 =	vshll.u32 v4, $0x7  }
0x86: {  	v5 =	vadd.s32 s20, v5  }
0x87: {  	vm0 =	vlt.u32 v4, $0x8;
	v4 =	vor.u32 v2, v5  }
0x88: {  	v4 =	vnsel vm0, $0x0, v4;
	_ =	sdelay $0x2  }
0x89: {  	s31 =	sshll.u32 s19, $0xC  }
0x8a: {  	s20 =	sand.u32 $0x1FFFF000, s31  }
0x8b: {  	s20 =	sadd.s32 s3, s20;
	[tilespmem:v4+s14+$0x0] =	vst.idx.msk vm0, v3  }
0x8c: {  	[hbm4b:s20+s4] =	stream.linear.scatter [tilespmem:s14], [sflag:$0x1], $0x8000, $0x38;
	[tilespmem:$0x12000] =	vst v63  }
.LBB2_12:
0x8d: {  	s20 =	sadd.s32 $0x1, s19  }
0x8e: {  	p1 =	sge.u32 s20, s2  }
0x8f: {  	p2 =	seq.s32 @!p1 s18, $0x0  }
0x90: {  	p2 =	por p1, p2  }
.Ltmp10:
0x91: {  	_ = 	snop;
	(pc) =	sbr.rel @p2 .LBB2_16-.Ltmp10, $1  }
0x92: {  	_ =	sdelay $0x3  }
0x93: {  	s21 =	sadd.s32 $0xFFFFFFFF, s19  }
0x94: {  	s22 =	smulhi.u32 $0x10624DD3, s21;
	s23 =	sshra.s32 s21, $0x1F  }
0x95: {  	s23 =	smul.u32 $0x10624DD3, s23  }
0x96: {  	_ =	swait.ge [sflag:s15], $0x8000  }
0x97: {  	p2 =	sgt.s32 s19, s6;
	[sflag:s15] =	ssyncset.done $0x0;
	s29 =	sadd.s32 s23, s22  }
0x98: {  	s22 =	simm.s32 $0x1000;
	s23 =	sshrl.u32 s29, $0x1F;
	s19 =	sshra.s32 s29, $0x3  }
0x99: {  	[sflag:s15] =	ssyncadd.s32 $0xFFFF8000;
	s22 =	simm.s32 @!p2 $0x0;
	s19 =	sadd.s32 s23, s19  }
0x9a: {  	v4 =	vld [tilespmem:s22+$0x0];
	s19 =	smul.u32 $0x7D, s19;
	_ =	sdelay $0x1  }
0x9b: {  	s19 =	ssub.s32 s21, s19  }
0x9c: {  	s21 =	sshll.u32 s19, $0x3  }
0x9d: {  	p2 =	slt.s32 s19, $0x0;
	s19 =	sadd.s32 $0x3E8, s21  }
0x9e: {  	v5 =	vmax.u32 v4, $0x1;
	s21 =	smov.u32 @p2 s19  }
0x9f: {  	s19 =	simm.s32 $0x0;
	v5 =	vsub.s32 v5, v1;
	v4 =	vmov s21  }
0xa0: {  	s30 =	sand.u32 $0x7C00, s19;
	s31 =	sand.u32 $0x70, s19;
	v5 =	vsub.s32 v5, v4  }
0xa1: {  	s21 =	sor.u32 s30, s31;
	v6 =	vshll.u32 v5, $0x7  }
0xa2: {  	v6 =	vadd.s32 s21, v6  }
0xa3: {  	vm0 =	vlt.u32 v5, $0x8;
	v5 =	vor.u32 v2, v6  }
0xa4: {  	v5 =	vnsel vm0, $0x0, v5;
	_ =	sdelay $0x4  }
0xa5: {  	s22 =	sadd.s32 $0x10, s22;
	[tilespmem:v5+s16+$0x0] =	vst.idx.msk vm0, v0  }
0xa6: {  	s23 =	simm.s32 $0x20;
	s21 =	simm.s32 $0x10;
	v5 =	vld [tilespmem:s22+$0x0]  }
.LBB2_14:
0xa7: {  	p2 =	sne.s32 s23, $0xFF0;
	_ =	sdelay $0x3  }
0xa8: {  	v5 =	vmax.u32 v5, $0x1  }
0xa9: {  	s19 =	sadd.s32 $0x80, s19;
	v5 =	vsub.s32 v5, v1  }
0xaa: {  	s25 =	sand.u32 $0x70, s21;
	s21 =	smov.u32 s23;
	s24 =	sand.u32 $0x7C00, s19;
	v5 =	vsub.s32 v5, v4  }
0xab: {  	s24 =	sor.u32 s24, s25;
	v6 =	vshll.u32 v5, $0x7  }
0xac: {  	v6 =	vadd.s32 s24, v6  }
0xad: {  	vm0 =	vlt.u32 v5, $0x8;
	v5 =	vor.u32 v2, v6  }
0xae: {  	v5 =	vnsel vm0, $0x0, v5;
	_ =	sdelay $0x1  }
.Ltmp11:
0xaf: {  	(pc) =	sbr.rel @p2 .LBB2_14-.Ltmp11, $3  }
0xb0: {  	_ =	sdelay $0x1  }
0xb1: {  	s22 =	sadd.s32 $0x10, s22;
	[tilespmem:v5+s16+$0x0] =	vst.idx.msk vm0, v0  }
0xb2: {  	s23 =	sadd.s32 $0x10, s23;
	v5 =	vld [tilespmem:s22+$0x0]  }
0xb3: {  	_ =	sdelay $0x3  }
0xb4: {  	v5 =	vmax.u32 v5, $0x1  }
0xb5: {  	s19 =	sadd.s32 $0x80, s19;
	v5 =	vsub.s32 v5, v1  }
0xb6: {  	s21 =	sand.u32 $0x70, s21;
	s19 =	sand.u32 $0x7C00, s19;
	v4 =	vsub.s32 v5, v4  }
0xb7: {  	s19 =	sor.u32 s19, s21;
	v5 =	vshll.u32 v4, $0x7  }
0xb8: {  	v5 =	vadd.s32 s19, v5  }
0xb9: {  	vm0 =	vlt.u32 v4, $0x8;
	v4 =	vor.u32 v2, v5  }
0xba: {  	v4 =	vnsel vm0, $0x0, v4;
	_ =	sdelay $0x4  }
0xbb: {  	[tilespmem:v4+s16+$0x0] =	vst.idx.msk vm0, v0  }
.LBB2_16:
.Ltmp12:
0xbc: {  	(pc) =	sbr.rel @p1 .LBB2_20-.Ltmp12, $1  }
0xbd: {  	_ =	sdelay $0x3  }
0xbe: {  	p1 =	slt.u32 s20, s6;
	s21 =	simm.s32 $0x0  }
0xbf: {  	s19 =	smulhi.u32 $0x10624DD3, s20;
	s21 =	simm.s32 @!p1 $0x1000  }
0xc0: {  	v4 =	vld [tilespmem:s21+$0x0]  }
0xc1: {  	s19 =	sshrl.u32 s19, $0x3  }
0xc2: {  	s19 =	smul.u32 $0x7D, s19;
	_ =	sdelay $0x1  }
0xc3: {  	s19 =	ssub.s32 s20, s19  }
0xc4: {  	s22 =	sshll.u32 s19, $0x3;
	v5 =	vmax.u32 v4, $0x1  }
0xc5: {  	s19 =	simm.s32 $0x0;
	v4 =	vmov s22;
	v5 =	vsub.s32 v5, v1  }
0xc6: {  	s31 =	sand.u32 $0x7C00, s19;
	s23 =	sand.u32 $0x70, s19;
	v5 =	vsub.s32 v5, v4  }
0xc7: {  	s22 =	sor.u32 s31, s23;
	v6 =	vshll.u32 v5, $0x7  }
0xc8: {  	v6 =	vadd.s32 s22, v6  }
0xc9: {  	vm0 =	vlt.u32 v5, $0x8;
	v5 =	vor.u32 v2, v6  }
0xca: {  	v5 =	vnsel vm0, $0x0, v5;
	_ =	sdelay $0x4  }
0xcb: {  	s22 =	sadd.s32 $0x10, s21;
	[tilespmem:v5+s16+$0x0] =	vst.idx.msk vm0, v3  }
0xcc: {  	s23 =	simm.s32 $0x20;
	s21 =	simm.s32 $0x10;
	v5 =	vld [tilespmem:s22+$0x0]  }
.LBB2_18:
0xcd: {  	p1 =	sne.s32 s23, $0xFF0;
	_ =	sdelay $0x3  }
0xce: {  	v5 =	vmax.u32 v5, $0x1  }
0xcf: {  	s19 =	sadd.s32 $0x80, s19;
	v5 =	vsub.s32 v5, v1  }
0xd0: {  	s25 =	sand.u32 $0x70, s21;
	s21 =	smov.u32 s23;
	s24 =	sand.u32 $0x7C00, s19;
	v5 =	vsub.s32 v5, v4  }
0xd1: {  	s24 =	sor.u32 s24, s25;
	v6 =	vshll.u32 v5, $0x7  }
0xd2: {  	v6 =	vadd.s32 s24, v6  }
0xd3: {  	vm0 =	vlt.u32 v5, $0x8;
	v5 =	vor.u32 v2, v6  }
0xd4: {  	v5 =	vnsel vm0, $0x0, v5;
	_ =	sdelay $0x1  }
.Ltmp13:
0xd5: {  	(pc) =	sbr.rel @p1 .LBB2_18-.Ltmp13, $3  }
0xd6: {  	_ =	sdelay $0x1  }
0xd7: {  	s22 =	sadd.s32 $0x10, s22;
	[tilespmem:v5+s16+$0x0] =	vst.idx.msk vm0, v3  }
0xd8: {  	s23 =	sadd.s32 $0x10, s23;
	v5 =	vld [tilespmem:s22+$0x0]  }
0xd9: {  	_ =	sdelay $0x3  }
0xda: {  	v5 =	vmax.u32 v5, $0x1  }
0xdb: {  	s19 =	sadd.s32 $0x80, s19;
	v5 =	vsub.s32 v5, v1  }
0xdc: {  	s21 =	sand.u32 $0x70, s21;
	s19 =	sand.u32 $0x7C00, s19;
	v4 =	vsub.s32 v5, v4  }
0xdd: {  	s19 =	sor.u32 s19, s21;
	v5 =	vshll.u32 v4, $0x7  }
0xde: {  	v5 =	vadd.s32 s19, v5  }
0xdf: {  	vm0 =	vlt.u32 v4, $0x8;
	v4 =	vor.u32 v2, v5  }
0xe0: {  	v4 =	vnsel vm0, $0x0, v4;
	_ =	sdelay $0x1  }
.Ltmp14:
0xe1: {  	_ = 	snop;
	(pc) =	sbr.rel .LBB2_20-.Ltmp14, $4  }
0xe2: {  	s31 =	sshll.u32 s20, $0xC  }
0xe3: {  	s19 =	sand.u32 $0x1FFFF000, s31  }
0xe4: {  	s19 =	sadd.s32 s3, s19;
	[tilespmem:v4+s16+$0x0] =	vst.idx.msk vm0, v3  }
0xe5: {  	[hbm4b:s19+s4] =	stream.linear.scatter [tilespmem:s16], [sflag:$0x2], $0x8000, $0x38;
	[tilespmem:$0x12000] =	vst v63  }
.LBB2_22:
0xe6: {  	_ =	sfence.sel $0x180000  }
0xe7: {  	[bflag:$0x0] =	sbarrier.arrive $0xFFFF  }
0xe8: {  	p0 =	sne.s32 s0, $0x0;
	_ =	strace $0x90000047  }
0xe9: {  	s0 =	sadd.s32 @!p0 $0x100000, s1;
	[bflag:$0x2] =	sbarrier.arrive $0xFFFF  }
0xea: {  	[sflag:s0] =	ssyncadd.tile.s32 @!p0 $0x1;
	_ =	shalt  }
.Lfunc_end2:
_tile_overlayer_lowered:
.L_overlay_start_2:
0xeb: {  	(tag) =	ssettag $0x2  }
0xec: {  	s0 =	rddreg [dreg:$0x0];
	s2 =	stileid.u32  }
0xed: {  	s1 =	rddreg [dreg:$0x1];
	p0 =	sne.s32 s2, $0x0  }
0xee: {  	s3 =	rddreg [dreg:$0x2];
	[bflag:$0x3] =	sbarrier.arrive $0xFFFF;
	s2 =	simm.s32 @!p0 $0x1C03  }
0xef: {  	[timem:s3], [sflag:s2] =	dma.local @!p0 [hbm:s0], s1  }
0xf0: {  	s0 =	simm.s32 @!p0 $0x3  }
0xf1: {  	_ =	swait.ge @!p0 [sflag:s0], s1  }
0xf2: {  	s1 =	ssub.s32 @!p0 $0x0, s1;
	[sflag:s0] =	ssyncset.done @!p0 $0x0  }
0xf3: {  	[sflag:s0] =	ssyncadd.s32 @!p0 s1  }
0xf4: {  	[bflag:$0x3] =	sbarrier.arrive $0xFFFF  }
0xf5: {  	_ =	shalt  }

</sc_bundles>
